<compile_context>
chip_gen: v7x
topology: tpu7x:2x2x1
jax: 0.10.2.dev20260603
libtpu: 0.0.44.dev20260713+nightly
codegen_flags: <defaults>
</compile_context>

<pallas_src>
import functools

import jax
import jax.numpy as jnp
from jax import lax
from jax.experimental import pallas as pl
from jax.experimental.pallas import tpu as pltpu
from jax.experimental.pallas import tpu_sc as plsc

_D = 5
_B = 16384
_H = 200
_TOTAL = _B * _H
_NW = 32
_V = 1000000
_RW = 40
_VR = _V * _D // _RW
_NT_H = _H // 8
_NT_B = _B // 128
_CL = 512
_NB = 4
_CPH = _NT_B * 1024 // (_CL * _NW)
_ROW_W = _NT_B * 1024
_PLANE = _NT_H * _ROW_W
_NCH = _NT_H * _CPH

_mesh = plsc.VectorSubcoreMesh(core_axis_name="c", subcore_axis_name="s")

@functools.partial(
    pl.kernel,
    mesh=_mesh,
    out_type=jax.ShapeDtypeStruct((_D * _TOTAL,), jnp.float32),
    scratch_types=[
        pltpu.VMEM((_NB, _CL), jnp.int32),
        pltpu.VMEM((_NB, _CL), jnp.int32),
        pltpu.VMEM((_NB, _CL, _RW), jnp.float32),
        pltpu.VMEM((_NB * _D, _CL), jnp.float32),
        pltpu.SemaphoreType.DMA,
        pltpu.SemaphoreType.DMA,
    ],
    compiler_params=pltpu.CompilerParams(
        use_tc_tiling_on_sc=False, needs_layout_passes=False
    ),
)
def _embed_gather_t(idx_hbm, table_hbm, out_hbm, idx_v, row_v, rows_v, planes_v,
                    sem_g, sem_w):
    wid = lax.axis_index("s") * 2 + lax.axis_index("c")
    lane = lax.iota(jnp.int32, 16)

    def chunk_off(i):
        ht = i // _CPH
        q = i % _CPH
        return ht * _ROW_W + (wid * _CPH + q) * _CL

    def start_gather(i, b):
        off = chunk_off(i)
        pltpu.sync_copy(idx_hbm.at[pl.ds(off, _CL)], idx_v.at[b])

        def rbody(j, c):
            w16 = idx_v[b, pl.ds(j * 16, 16)]
            row_v[b, pl.ds(j * 16, 16)] = lax.shift_right_logical(w16, 3)
            return c

        lax.fori_loop(0, _CL // 16, rbody, 0)
        return pltpu.async_copy(table_hbm.at[row_v.at[b]], rows_v.at[b], sem_g)

    def extract(i, b):
        bb = jnp.full((16,), b, jnp.int32)

        def tbody(j, c):
            w16 = idx_v[b, pl.ds(j * 16, 16)]
            col = jnp.bitwise_and(w16, 7) * _D
            row16 = j * 16 + lane
            for d in range(_D):
                v = plsc.load_gather(rows_v, [bb, row16, col + d])
                planes_v[b * _D + d, pl.ds(j * 16, 16)] = v
            return c

        lax.fori_loop(0, _CL // 16, tbody, 0)
        off = chunk_off(i)
        return [
            pltpu.async_copy(
                planes_v.at[b * _D + d],
                out_hbm.at[pl.ds(d * _PLANE + off, _CL)],
                sem_w,
            )
            for d in range(_D)
        ]

    def body(p, carry):
        cs = [start_gather(_NB * p + k, k) for k in range(_NB)]
        ws = []
        for k in range(_NB):
            cs[k].wait()
            ws += extract(_NB * p + k, k)
        for w in ws:
            w.wait()
        return carry

    lax.fori_loop(0, _NCH // _NB, body, 0)


def kernel(data_index, embedding_dim, table5):
    flag = jnp.asarray(embedding_dim == _D, jnp.int32)
    idx_t = (
        data_index.T.reshape(_NT_H, 8, _NT_B, 128)
        .transpose(0, 2, 1, 3)
        .reshape(_TOTAL)
    ) * flag
    table40 = table5.reshape(_VR, _RW)
    flat = _embed_gather_t(idx_t, table40)
    o5 = flat.reshape(_D, _NT_H, _NT_B, 8, 128).transpose(1, 3, 2, 4, 0)
    return o5.reshape(_H, _B, _D).transpose(1, 0, 2)

# --- scband reference (transcript-rebuilt; emitter-appended) ---
"""Pipeline reference for scband-index-embed-49357764165756 (READ-ONLY COPY).

The authoritative reference and input builder live on the scoring server;
editing this copy changes nothing except your own understanding.
"""

import jax, jax.numpy as jnp
import numpy as np

NUM_EMBEDDINGS = 1000000
EMBED_DIM = 5
BATCH = 16384
HIST = 200

def setup_inputs(seed: int = 0) -> dict:
    key = jax.random.key(seed)
    k_idx, k_tab = jax.random.split(key)
    data_index = jax.random.randint(k_idx, (BATCH, HIST), 0, NUM_EMBEDDINGS, dtype=jnp.int32)
    # nn.Embedding weight ~ N(0,1); padding_idx=0 row is zeroed
    table5 = jax.random.normal(k_tab, (NUM_EMBEDDINGS, EMBED_DIM), dtype=jnp.float32)
    table5 = table5.at[0].set(0.0)
    return {"data_index": data_index, "embedding_dim": EMBED_DIM, "table5": table5}

def reference(data_index, embedding_dim, table5):
    # IndexEmbed.forward with embedding_dim=5 dispatches to self._embed5(data_index)
    # which is a plain embedding gather: table[idx]
    assert table5.shape[1] == EMBED_DIM
    embed = jnp.take(table5, data_index, axis=0)
    embed = jnp.where(embedding_dim == EMBED_DIM, embed, jnp.zeros_like(embed))
    return embed

if __name__ == "__main__":
    import jax
    _d = setup_inputs()
    print(jax.jit(kernel)(*tuple(_d.values())))

</pallas_src>

<mosaic_0001>
#map = affine_map<(d0, d1) -> (0)>
#map1 = affine_map<(d0, d1) -> (0, 0)>
module attributes {stable_mosaic.version = 14 : i64} {
  func.func @_embed_gather_t(%arg0: i32, %arg1: i32, %arg2: memref<3276800xi32, #tpu.memory_space<hbm>>, %arg3: memref<125000x40xf32, #tpu.memory_space<hbm>>, %arg4: memref<16384000xf32, #tpu.memory_space<hbm>>, %arg5: memref<4x512xi32, #tpu.memory_space<vmem>>, %arg6: memref<4x512xi32, #tpu.memory_space<vmem>>, %arg7: memref<4x512x40xf32, #tpu.memory_space<vmem>>, %arg8: memref<20x512xf32, #tpu.memory_space<vmem>>, %arg9: memref<!tpu.dma_semaphore, #tpu.memory_space<semaphore_mem>>, %arg10: memref<!tpu.dma_semaphore, #tpu.memory_space<semaphore_mem>>) attributes {dimension_semantics = [#tpu.dimension_semantics<core_parallel>, #tpu.dimension_semantics<subcore_parallel>], iteration_bounds = array<i64: 2, 16>, scalar_prefetch = 0 : i64, scratch_operands = 6 : i64, tpu.core_type = #tpu.core_type<sc_vector_subcore>, window_params = [{transform_indices = #map}, {transform_indices = #map1}, {transform_indices = #map}]} {
    %mul3A = arith.constant 2 : i32
    %mul3A_0 = arith.muli %arg1, %mul3A : i32
    %add3A = arith.addi %mul3A_0, %arg0 : i32
    %iota3A = tpu.iota {dimensions = array<i32: 0>} : vector<16xi32>
    %scan3A = arith.constant 0 : i32
    %scan3A_1 = arith.constant 0 : i32
    %scan3A_2 = arith.constant 50 : i32
    %scan3A_3 = arith.addi %scan3A_1, %scan3A_2 : i32
    %scan3A_4 = arith.constant 1 : i32
    scf.for %scan3A_6 = %scan3A_1 to %scan3A_3 step %scan3A_4  : i32 {
      %mul3A_7 = arith.constant 4 : i32
      %mul3A_8 = arith.muli %mul3A_7, %scan3A_6 : i32
      %add3A_9 = arith.constant 0 : i32
      %add3A_10 = arith.addi %mul3A_8, %add3A_9 : i32
      %jit3A = arith.constant 8 : i32
      %div3A = arith.divsi %add3A_10, %jit3A : i32
      %sign3A = arith.constant 0 : i32
      %sign3A_11 = arith.cmpi sgt, %add3A_10, %sign3A : i32
      %sign3A_12 = arith.extui %sign3A_11 : i1 to i32
      %sign3A_13 = arith.constant 0 : i32
      %sign3A_14 = arith.cmpi slt, %add3A_10, %sign3A_13 : i32
      %sign3A_15 = arith.extui %sign3A_14 : i1 to i32
      %sign3A_16 = arith.subi %sign3A_12, %sign3A_15 : i32
      %sign3A_17 = arith.constant 0 : i32
      %sign3A_18 = arith.cmpi sgt, %jit3A, %sign3A_17 : i32
      %sign3A_19 = arith.extui %sign3A_18 : i1 to i32
      %sign3A_20 = arith.constant 0 : i32
      %sign3A_21 = arith.cmpi slt, %jit3A, %sign3A_20 : i32
      %sign3A_22 = arith.extui %sign3A_21 : i1 to i32
      %sign3A_23 = arith.subi %sign3A_19, %sign3A_22 : i32
      %ne3A = arith.cmpi ne, %sign3A_16, %sign3A_23 : i32
      %rem3A = arith.remsi %add3A_10, %jit3A : i32
      %ne3A_24 = arith.constant 0 : i32
      %ne3A_25 = arith.cmpi ne, %rem3A, %ne3A_24 : i32
      %and3A = arith.andi %ne3A, %ne3A_25 : i1
      %sub3A = arith.constant 1 : i32
      %sub3A_26 = arith.subi %div3A, %sub3A : i32
      %select_n3A = arith.select %and3A, %sub3A_26, %div3A : i32
      %jit3A_27 = arith.constant 8 : i32
      %eq3A = arith.constant 0 : i32
      %eq3A_28 = arith.cmpi eq, %jit3A_27, %eq3A : i32
      %jit3A_29 = arith.constant 1 : i32
      %select_n3A_30 = arith.select %eq3A_28, %jit3A_29, %jit3A_27 : i32
      %rem3A_31 = arith.remsi %add3A_10, %select_n3A_30 : i32
      %ne3A_32 = arith.constant 0 : i32
      %ne3A_33 = arith.cmpi ne, %rem3A_31, %ne3A_32 : i32
      %lt3A = arith.constant 0 : i32
      %lt3A_34 = arith.cmpi slt, %rem3A_31, %lt3A : i32
      %lt3A_35 = arith.constant 0 : i32
      %lt3A_36 = arith.cmpi slt, %select_n3A_30, %lt3A_35 : i32
      %ne3A_37 = arith.xori %lt3A_34, %lt3A_36 : i1
      %and3A_38 = arith.andi %ne3A_37, %ne3A_33 : i1
      %add3A_39 = arith.addi %rem3A_31, %select_n3A_30 : i32
      %select_n3A_40 = arith.select %and3A_38, %add3A_39, %rem3A_31 : i32
      %mul3A_41 = arith.constant 131072 : i32
      %mul3A_42 = arith.muli %select_n3A, %mul3A_41 : i32
      %mul3A_43 = arith.constant 8 : i32
      %mul3A_44 = arith.muli %add3A, %mul3A_43 : i32
      %add3A_45 = arith.addi %mul3A_44, %select_n3A_40 : i32
      %mul3A_46 = arith.constant 512 : i32
      %mul3A_47 = arith.muli %add3A_45, %mul3A_46 : i32
      %add3A_48 = arith.addi %mul3A_42, %mul3A_47 : i32
      %run_scoped3A = arith.constant 0 : i32
      "tpu.region"() ({
        %run_scoped3A_965 = tpu.sem_alloc : memref<!tpu.dma_semaphore, #tpu.memory_space<semaphore_mem>>
        %dma_start3A_966 = arith.constant 0 : i32
        %dma_start3A_967 = tpu.memref_slice %arg5[%run_scoped3A, %dma_start3A_966] : memref<4x512xi32, #tpu.memory_space<vmem>> -> memref<1x512xi32, #tpu.memory_space<vmem>>
        %dma_start3A_968 = tpu.memref_squeeze %dma_start3A_967 : memref<1x512xi32, #tpu.memory_space<vmem>> -> memref<512xi32, #tpu.memory_space<vmem>>
        %dma_start3A_969 = tpu.memref_slice %arg2[%add3A_48] : memref<3276800xi32, #tpu.memory_space<hbm>> -> memref<512xi32, #tpu.memory_space<hbm>>
        %dma_start3A_970 = arith.constant 0 : i32
        %dma_start3A_971 = tpu.memref_slice %arg5[%run_scoped3A, %dma_start3A_970] : memref<4x512xi32, #tpu.memory_space<vmem>> -> memref<1x512xi32, #tpu.memory_space<vmem>>
        %dma_start3A_972 = tpu.memref_squeeze %dma_start3A_971 : memref<1x512xi32, #tpu.memory_space<vmem>> -> memref<512xi32, #tpu.memory_space<vmem>>
        %dma_start3A_973 = tpu.memref_slice %arg2[%add3A_48] : memref<3276800xi32, #tpu.memory_space<hbm>> -> memref<512xi32, #tpu.memory_space<hbm>>
        tpu.enqueue_dma source(%dma_start3A_973 : memref<512xi32, #tpu.memory_space<hbm>>) target(%dma_start3A_972 : memref<512xi32, #tpu.memory_space<vmem>>) target_semaphore(%run_scoped3A_965 : memref<!tpu.dma_semaphore, #tpu.memory_space<semaphore_mem>>)
        %dma_wait3A_974 = arith.constant 0 : i32
        %dma_wait3A_975 = tpu.memref_slice %arg5[%run_scoped3A, %dma_wait3A_974] : memref<4x512xi32, #tpu.memory_space<vmem>> -> memref<1x512xi32, #tpu.memory_space<vmem>>
        %dma_wait3A_976 = tpu.memref_squeeze %dma_wait3A_975 : memref<1x512xi32, #tpu.memory_space<vmem>> -> memref<512xi32, #tpu.memory_space<vmem>>
        %dma_wait3A_977 = tpu.memref_slice %arg2[%add3A_48] : memref<3276800xi32, #tpu.memory_space<hbm>> -> memref<512xi32, #tpu.memory_space<hbm>>
        %dma_wait3A_978 = arith.constant 0 : i32
        %dma_wait3A_979 = tpu.memref_slice %arg5[%run_scoped3A, %dma_wait3A_978] : memref<4x512xi32, #tpu.memory_space<vmem>> -> memref<1x512xi32, #tpu.memory_space<vmem>>
        %dma_wait3A_980 = tpu.memref_squeeze %dma_wait3A_979 : memref<1x512xi32, #tpu.memory_space<vmem>> -> memref<512xi32, #tpu.memory_space<vmem>>
        %dma_wait3A_981 = tpu.memref_slice %arg2[%add3A_48] : memref<3276800xi32, #tpu.memory_space<hbm>> -> memref<512xi32, #tpu.memory_space<hbm>>
        tpu.wait_dma2 semaphore(%run_scoped3A_965 : memref<!tpu.dma_semaphore, #tpu.memory_space<semaphore_mem>>) src(%dma_wait3A_981 : memref<512xi32, #tpu.memory_space<hbm>>) dst(%dma_wait3A_980 : memref<512xi32, #tpu.memory_space<vmem>>)
        tpu.yield
      }) : () -> ()
      %scan3A_49 = arith.constant 0 : i32
      %scan3A_50 = arith.constant 0 : i32
      %scan3A_51 = arith.constant 32 : i32
      %scan3A_52 = arith.addi %scan3A_50, %scan3A_51 : i32
      %scan3A_53 = arith.constant 1 : i32
      scf.for %scan3A_965 = %scan3A_50 to %scan3A_52 step %scan3A_53  : i32 {
        %mul3A_966 = arith.constant 16 : i32
        %mul3A_967 = arith.muli %scan3A_965, %mul3A_966 : i32
        %get3A = arith.constant 0 : i32
        %get3A_968 = arith.index_cast %get3A : i32 to index
        %get3A_969 = arith.index_cast %mul3A_967 : i32 to index
        %get3A_970 = tpu.vector_load %arg5[%get3A_968, %get3A_969] {strides = array<i32>} : memref<4x512xi32, #tpu.memory_space<vmem>>, vector<16xi32>,
        %shift_right_logical3A = arith.constant 3 : i32
        %shift_right_logical3A_971 = vector.broadcast %shift_right_logical3A : i32 to vector<16xi32>
        %shift_right_logical3A_972 = arith.shrui %get3A_970, %shift_right_logical3A_971 : vector<16xi32>
        %mul3A_973 = arith.constant 16 : i32
        %mul3A_974 = arith.muli %scan3A_965, %mul3A_973 : i32
        %swap3A = arith.constant 0 : i32
        %swap3A_975 = arith.index_cast %swap3A : i32 to index
        %swap3A_976 = arith.index_cast %mul3A_974 : i32 to index
        %swap3A_977 = tpu.vector_load %arg6[%swap3A_975, %swap3A_976] {strides = array<i32>} : memref<4x512xi32, #tpu.memory_space<vmem>>, vector<16xi32>,
        tpu.vector_store %arg6[%swap3A_975, %swap3A_976], %shift_right_logical3A_972 {strides = array<i32>} : memref<4x512xi32, #tpu.memory_space<vmem>>, vector<16xi32>,
      }
      %scan3A_54 = arith.constant 32 : i32
      %dma_start3A = arith.constant 0 : i32
      %dma_start3A_55 = arith.constant 0 : i32
      %dma_start3A_56 = arith.constant 0 : i32
      %dma_start3A_57 = arith.constant 0 : i32
      %dma_start3A_58 = tpu.memref_slice %arg7[%dma_start3A_55, %dma_start3A_56, %dma_start3A_57] : memref<4x512x40xf32, #tpu.memory_space<vmem>> -> memref<1x512x40xf32, #tpu.memory_space<vmem>>
      %dma_start3A_59 = tpu.memref_squeeze %dma_start3A_58 : memref<1x512x40xf32, #tpu.memory_space<vmem>> -> memref<512x40xf32, #tpu.memory_space<vmem>>
      %dma_start3A_60 = arith.constant 0 : i32
      %dma_start3A_61 = tpu.memref_slice %arg6[%dma_start3A, %dma_start3A_60] : memref<4x512xi32, #tpu.memory_space<vmem>> -> memref<1x512xi32, #tpu.memory_space<vmem>>
      %dma_start3A_62 = tpu.memref_squeeze %dma_start3A_61 : memref<1x512xi32, #tpu.memory_space<vmem>> -> memref<512xi32, #tpu.memory_space<vmem>>
      %dma_start3A_63 = arith.constant 0 : i32
      %dma_start3A_64 = arith.constant 0 : i32
      %dma_start3A_65 = tpu.memref_slice %arg3[%dma_start3A_63, %dma_start3A_64] : memref<125000x40xf32, #tpu.memory_space<hbm>> -> memref<125000x40xf32, #tpu.memory_space<hbm>>
      tpu.enqueue_indirect_dma source(%dma_start3A_65 : memref<125000x40xf32, #tpu.memory_space<hbm>>) target(%dma_start3A_59 : memref<512x40xf32, #tpu.memory_space<vmem>>) offsets(%dma_start3A_62 : memref<512xi32, #tpu.memory_space<vmem>>) semaphore(%arg9 : memref<!tpu.dma_semaphore, #tpu.memory_space<semaphore_mem>>)
      %mul3A_66 = arith.constant 4 : i32
      %mul3A_67 = arith.muli %mul3A_66, %scan3A_6 : i32
      %add3A_68 = arith.constant 1 : i32
      %add3A_69 = arith.addi %mul3A_67, %add3A_68 : i32
      %jit3A_70 = arith.constant 8 : i32
      %div3A_71 = arith.divsi %add3A_69, %jit3A_70 : i32
      %sign3A_72 = arith.constant 0 : i32
      %sign3A_73 = arith.cmpi sgt, %add3A_69, %sign3A_72 : i32
      %sign3A_74 = arith.extui %sign3A_73 : i1 to i32
      %sign3A_75 = arith.constant 0 : i32
      %sign3A_76 = arith.cmpi slt, %add3A_69, %sign3A_75 : i32
      %sign3A_77 = arith.extui %sign3A_76 : i1 to i32
      %sign3A_78 = arith.subi %sign3A_74, %sign3A_77 : i32
      %sign3A_79 = arith.constant 0 : i32
      %sign3A_80 = arith.cmpi sgt, %jit3A_70, %sign3A_79 : i32
      %sign3A_81 = arith.extui %sign3A_80 : i1 to i32
      %sign3A_82 = arith.constant 0 : i32
      %sign3A_83 = arith.cmpi slt, %jit3A_70, %sign3A_82 : i32
      %sign3A_84 = arith.extui %sign3A_83 : i1 to i32
      %sign3A_85 = arith.subi %sign3A_81, %sign3A_84 : i32
      %ne3A_86 = arith.cmpi ne, %sign3A_78, %sign3A_85 : i32
      %rem3A_87 = arith.remsi %add3A_69, %jit3A_70 : i32
      %ne3A_88 = arith.constant 0 : i32
      %ne3A_89 = arith.cmpi ne, %rem3A_87, %ne3A_88 : i32
      %and3A_90 = arith.andi %ne3A_86, %ne3A_89 : i1
      %sub3A_91 = arith.constant 1 : i32
      %sub3A_92 = arith.subi %div3A_71, %sub3A_91 : i32
      %select_n3A_93 = arith.select %and3A_90, %sub3A_92, %div3A_71 : i32
      %jit3A_94 = arith.constant 8 : i32
      %eq3A_95 = arith.constant 0 : i32
      %eq3A_96 = arith.cmpi eq, %jit3A_94, %eq3A_95 : i32
      %jit3A_97 = arith.constant 1 : i32
      %select_n3A_98 = arith.select %eq3A_96, %jit3A_97, %jit3A_94 : i32
      %rem3A_99 = arith.remsi %add3A_69, %select_n3A_98 : i32
      %ne3A_100 = arith.constant 0 : i32
      %ne3A_101 = arith.cmpi ne, %rem3A_99, %ne3A_100 : i32
      %lt3A_102 = arith.constant 0 : i32
      %lt3A_103 = arith.cmpi slt, %rem3A_99, %lt3A_102 : i32
      %lt3A_104 = arith.constant 0 : i32
      %lt3A_105 = arith.cmpi slt, %select_n3A_98, %lt3A_104 : i32
      %ne3A_106 = arith.xori %lt3A_103, %lt3A_105 : i1
      %and3A_107 = arith.andi %ne3A_106, %ne3A_101 : i1
      %add3A_108 = arith.addi %rem3A_99, %select_n3A_98 : i32
      %select_n3A_109 = arith.select %and3A_107, %add3A_108, %rem3A_99 : i32
      %mul3A_110 = arith.constant 131072 : i32
      %mul3A_111 = arith.muli %select_n3A_93, %mul3A_110 : i32
      %mul3A_112 = arith.constant 8 : i32
      %mul3A_113 = arith.muli %add3A, %mul3A_112 : i32
      %add3A_114 = arith.addi %mul3A_113, %select_n3A_109 : i32
      %mul3A_115 = arith.constant 512 : i32
      %mul3A_116 = arith.muli %add3A_114, %mul3A_115 : i32
      %add3A_117 = arith.addi %mul3A_111, %mul3A_116 : i32
      %run_scoped3A_118 = arith.constant 1 : i32
      "tpu.region"() ({
        %run_scoped3A_965 = tpu.sem_alloc : memref<!tpu.dma_semaphore, #tpu.memory_space<semaphore_mem>>
        %dma_start3A_966 = arith.constant 0 : i32
        %dma_start3A_967 = tpu.memref_slice %arg5[%run_scoped3A_118, %dma_start3A_966] : memref<4x512xi32, #tpu.memory_space<vmem>> -> memref<1x512xi32, #tpu.memory_space<vmem>>
        %dma_start3A_968 = tpu.memref_squeeze %dma_start3A_967 : memref<1x512xi32, #tpu.memory_space<vmem>> -> memref<512xi32, #tpu.memory_space<vmem>>
        %dma_start3A_969 = tpu.memref_slice %arg2[%add3A_117] : memref<3276800xi32, #tpu.memory_space<hbm>> -> memref<512xi32, #tpu.memory_space<hbm>>
        %dma_start3A_970 = arith.constant 0 : i32
        %dma_start3A_971 = tpu.memref_slice %arg5[%run_scoped3A_118, %dma_start3A_970] : memref<4x512xi32, #tpu.memory_space<vmem>> -> memref<1x512xi32, #tpu.memory_space<vmem>>
        %dma_start3A_972 = tpu.memref_squeeze %dma_start3A_971 : memref<1x512xi32, #tpu.memory_space<vmem>> -> memref<512xi32, #tpu.memory_space<vmem>>
        %dma_start3A_973 = tpu.memref_slice %arg2[%add3A_117] : memref<3276800xi32, #tpu.memory_space<hbm>> -> memref<512xi32, #tpu.memory_space<hbm>>
        tpu.enqueue_dma source(%dma_start3A_973 : memref<512xi32, #tpu.memory_space<hbm>>) target(%dma_start3A_972 : memref<512xi32, #tpu.memory_space<vmem>>) target_semaphore(%run_scoped3A_965 : memref<!tpu.dma_semaphore, #tpu.memory_space<semaphore_mem>>)
        %dma_wait3A_974 = arith.constant 0 : i32
        %dma_wait3A_975 = tpu.memref_slice %arg5[%run_scoped3A_118, %dma_wait3A_974] : memref<4x512xi32, #tpu.memory_space<vmem>> -> memref<1x512xi32, #tpu.memory_space<vmem>>
        %dma_wait3A_976 = tpu.memref_squeeze %dma_wait3A_975 : memref<1x512xi32, #tpu.memory_space<vmem>> -> memref<512xi32, #tpu.memory_space<vmem>>
        %dma_wait3A_977 = tpu.memref_slice %arg2[%add3A_117] : memref<3276800xi32, #tpu.memory_space<hbm>> -> memref<512xi32, #tpu.memory_space<hbm>>
        %dma_wait3A_978 = arith.constant 0 : i32
        %dma_wait3A_979 = tpu.memref_slice %arg5[%run_scoped3A_118, %dma_wait3A_978] : memref<4x512xi32, #tpu.memory_space<vmem>> -> memref<1x512xi32, #tpu.memory_space<vmem>>
        %dma_wait3A_980 = tpu.memref_squeeze %dma_wait3A_979 : memref<1x512xi32, #tpu.memory_space<vmem>> -> memref<512xi32, #tpu.memory_space<vmem>>
        %dma_wait3A_981 = tpu.memref_slice %arg2[%add3A_117] : memref<3276800xi32, #tpu.memory_space<hbm>> -> memref<512xi32, #tpu.memory_space<hbm>>
        tpu.wait_dma2 semaphore(%run_scoped3A_965 : memref<!tpu.dma_semaphore, #tpu.memory_space<semaphore_mem>>) src(%dma_wait3A_981 : memref<512xi32, #tpu.memory_space<hbm>>) dst(%dma_wait3A_980 : memref<512xi32, #tpu.memory_space<vmem>>)
        tpu.yield
      }) : () -> ()
      %scan3A_119 = arith.constant 0 : i32
      %scan3A_120 = arith.constant 0 : i32
      %scan3A_121 = arith.constant 32 : i32
      %scan3A_122 = arith.addi %scan3A_120, %scan3A_121 : i32
      %scan3A_123 = arith.constant 1 : i32
      scf.for %scan3A_965 = %scan3A_120 to %scan3A_122 step %scan3A_123  : i32 {
        %mul3A_966 = arith.constant 16 : i32
        %mul3A_967 = arith.muli %scan3A_965, %mul3A_966 : i32
        %get3A = arith.constant 1 : i32
        %get3A_968 = arith.index_cast %get3A : i32 to index
        %get3A_969 = arith.index_cast %mul3A_967 : i32 to index
        %get3A_970 = tpu.vector_load %arg5[%get3A_968, %get3A_969] {strides = array<i32>} : memref<4x512xi32, #tpu.memory_space<vmem>>, vector<16xi32>,
        %shift_right_logical3A = arith.constant 3 : i32
        %shift_right_logical3A_971 = vector.broadcast %shift_right_logical3A : i32 to vector<16xi32>
        %shift_right_logical3A_972 = arith.shrui %get3A_970, %shift_right_logical3A_971 : vector<16xi32>
        %mul3A_973 = arith.constant 16 : i32
        %mul3A_974 = arith.muli %scan3A_965, %mul3A_973 : i32
        %swap3A = arith.constant 1 : i32
        %swap3A_975 = arith.index_cast %swap3A : i32 to index
        %swap3A_976 = arith.index_cast %mul3A_974 : i32 to index
        %swap3A_977 = tpu.vector_load %arg6[%swap3A_975, %swap3A_976] {strides = array<i32>} : memref<4x512xi32, #tpu.memory_space<vmem>>, vector<16xi32>,
        tpu.vector_store %arg6[%swap3A_975, %swap3A_976], %shift_right_logical3A_972 {strides = array<i32>} : memref<4x512xi32, #tpu.memory_space<vmem>>, vector<16xi32>,
      }
      %scan3A_124 = arith.constant 32 : i32
      %dma_start3A_125 = arith.constant 1 : i32
      %dma_start3A_126 = arith.constant 1 : i32
      %dma_start3A_127 = arith.constant 0 : i32
      %dma_start3A_128 = arith.constant 0 : i32
      %dma_start3A_129 = tpu.memref_slice %arg7[%dma_start3A_126, %dma_start3A_127, %dma_start3A_128] : memref<4x512x40xf32, #tpu.memory_space<vmem>> -> memref<1x512x40xf32, #tpu.memory_space<vmem>>
      %dma_start3A_130 = tpu.memref_squeeze %dma_start3A_129 : memref<1x512x40xf32, #tpu.memory_space<vmem>> -> memref<512x40xf32, #tpu.memory_space<vmem>>
      %dma_start3A_131 = arith.constant 0 : i32
      %dma_start3A_132 = tpu.memref_slice %arg6[%dma_start3A_125, %dma_start3A_131] : memref<4x512xi32, #tpu.memory_space<vmem>> -> memref<1x512xi32, #tpu.memory_space<vmem>>
      %dma_start3A_133 = tpu.memref_squeeze %dma_start3A_132 : memref<1x512xi32, #tpu.memory_space<vmem>> -> memref<512xi32, #tpu.memory_space<vmem>>
      %dma_start3A_134 = arith.constant 0 : i32
      %dma_start3A_135 = arith.constant 0 : i32
      %dma_start3A_136 = tpu.memref_slice %arg3[%dma_start3A_134, %dma_start3A_135] : memref<125000x40xf32, #tpu.memory_space<hbm>> -> memref<125000x40xf32, #tpu.memory_space<hbm>>
      tpu.enqueue_indirect_dma source(%dma_start3A_136 : memref<125000x40xf32, #tpu.memory_space<hbm>>) target(%dma_start3A_130 : memref<512x40xf32, #tpu.memory_space<vmem>>) offsets(%dma_start3A_133 : memref<512xi32, #tpu.memory_space<vmem>>) semaphore(%arg9 : memref<!tpu.dma_semaphore, #tpu.memory_space<semaphore_mem>>)
      %mul3A_137 = arith.constant 4 : i32
      %mul3A_138 = arith.muli %mul3A_137, %scan3A_6 : i32
      %add3A_139 = arith.constant 2 : i32
      %add3A_140 = arith.addi %mul3A_138, %add3A_139 : i32
      %jit3A_141 = arith.constant 8 : i32
      %div3A_142 = arith.divsi %add3A_140, %jit3A_141 : i32
      %sign3A_143 = arith.constant 0 : i32
      %sign3A_144 = arith.cmpi sgt, %add3A_140, %sign3A_143 : i32
      %sign3A_145 = arith.extui %sign3A_144 : i1 to i32
      %sign3A_146 = arith.constant 0 : i32
      %sign3A_147 = arith.cmpi slt, %add3A_140, %sign3A_146 : i32
      %sign3A_148 = arith.extui %sign3A_147 : i1 to i32
      %sign3A_149 = arith.subi %sign3A_145, %sign3A_148 : i32
      %sign3A_150 = arith.constant 0 : i32
      %sign3A_151 = arith.cmpi sgt, %jit3A_141, %sign3A_150 : i32
      %sign3A_152 = arith.extui %sign3A_151 : i1 to i32
      %sign3A_153 = arith.constant 0 : i32
      %sign3A_154 = arith.cmpi slt, %jit3A_141, %sign3A_153 : i32
      %sign3A_155 = arith.extui %sign3A_154 : i1 to i32
      %sign3A_156 = arith.subi %sign3A_152, %sign3A_155 : i32
      %ne3A_157 = arith.cmpi ne, %sign3A_149, %sign3A_156 : i32
      %rem3A_158 = arith.remsi %add3A_140, %jit3A_141 : i32
      %ne3A_159 = arith.constant 0 : i32
      %ne3A_160 = arith.cmpi ne, %rem3A_158, %ne3A_159 : i32
      %and3A_161 = arith.andi %ne3A_157, %ne3A_160 : i1
      %sub3A_162 = arith.constant 1 : i32
      %sub3A_163 = arith.subi %div3A_142, %sub3A_162 : i32
      %select_n3A_164 = arith.select %and3A_161, %sub3A_163, %div3A_142 : i32
      %jit3A_165 = arith.constant 8 : i32
      %eq3A_166 = arith.constant 0 : i32
      %eq3A_167 = arith.cmpi eq, %jit3A_165, %eq3A_166 : i32
      %jit3A_168 = arith.constant 1 : i32
      %select_n3A_169 = arith.select %eq3A_167, %jit3A_168, %jit3A_165 : i32
      %rem3A_170 = arith.remsi %add3A_140, %select_n3A_169 : i32
      %ne3A_171 = arith.constant 0 : i32
      %ne3A_172 = arith.cmpi ne, %rem3A_170, %ne3A_171 : i32
      %lt3A_173 = arith.constant 0 : i32
      %lt3A_174 = arith.cmpi slt, %rem3A_170, %lt3A_173 : i32
      %lt3A_175 = arith.constant 0 : i32
      %lt3A_176 = arith.cmpi slt, %select_n3A_169, %lt3A_175 : i32
      %ne3A_177 = arith.xori %lt3A_174, %lt3A_176 : i1
      %and3A_178 = arith.andi %ne3A_177, %ne3A_172 : i1
      %add3A_179 = arith.addi %rem3A_170, %select_n3A_169 : i32
      %select_n3A_180 = arith.select %and3A_178, %add3A_179, %rem3A_170 : i32
      %mul3A_181 = arith.constant 131072 : i32
      %mul3A_182 = arith.muli %select_n3A_164, %mul3A_181 : i32
      %mul3A_183 = arith.constant 8 : i32
      %mul3A_184 = arith.muli %add3A, %mul3A_183 : i32
      %add3A_185 = arith.addi %mul3A_184, %select_n3A_180 : i32
      %mul3A_186 = arith.constant 512 : i32
      %mul3A_187 = arith.muli %add3A_185, %mul3A_186 : i32
      %add3A_188 = arith.addi %mul3A_182, %mul3A_187 : i32
      %run_scoped3A_189 = arith.constant 2 : i32
      "tpu.region"() ({
        %run_scoped3A_965 = tpu.sem_alloc : memref<!tpu.dma_semaphore, #tpu.memory_space<semaphore_mem>>
        %dma_start3A_966 = arith.constant 0 : i32
        %dma_start3A_967 = tpu.memref_slice %arg5[%run_scoped3A_189, %dma_start3A_966] : memref<4x512xi32, #tpu.memory_space<vmem>> -> memref<1x512xi32, #tpu.memory_space<vmem>>
        %dma_start3A_968 = tpu.memref_squeeze %dma_start3A_967 : memref<1x512xi32, #tpu.memory_space<vmem>> -> memref<512xi32, #tpu.memory_space<vmem>>
        %dma_start3A_969 = tpu.memref_slice %arg2[%add3A_188] : memref<3276800xi32, #tpu.memory_space<hbm>> -> memref<512xi32, #tpu.memory_space<hbm>>
        %dma_start3A_970 = arith.constant 0 : i32
        %dma_start3A_971 = tpu.memref_slice %arg5[%run_scoped3A_189, %dma_start3A_970] : memref<4x512xi32, #tpu.memory_space<vmem>> -> memref<1x512xi32, #tpu.memory_space<vmem>>
        %dma_start3A_972 = tpu.memref_squeeze %dma_start3A_971 : memref<1x512xi32, #tpu.memory_space<vmem>> -> memref<512xi32, #tpu.memory_space<vmem>>
        %dma_start3A_973 = tpu.memref_slice %arg2[%add3A_188] : memref<3276800xi32, #tpu.memory_space<hbm>> -> memref<512xi32, #tpu.memory_space<hbm>>
        tpu.enqueue_dma source(%dma_start3A_973 : memref<512xi32, #tpu.memory_space<hbm>>) target(%dma_start3A_972 : memref<512xi32, #tpu.memory_space<vmem>>) target_semaphore(%run_scoped3A_965 : memref<!tpu.dma_semaphore, #tpu.memory_space<semaphore_mem>>)
        %dma_wait3A_974 = arith.constant 0 : i32
        %dma_wait3A_975 = tpu.memref_slice %arg5[%run_scoped3A_189, %dma_wait3A_974] : memref<4x512xi32, #tpu.memory_space<vmem>> -> memref<1x512xi32, #tpu.memory_space<vmem>>
        %dma_wait3A_976 = tpu.memref_squeeze %dma_wait3A_975 : memref<1x512xi32, #tpu.memory_space<vmem>> -> memref<512xi32, #tpu.memory_space<vmem>>
        %dma_wait3A_977 = tpu.memref_slice %arg2[%add3A_188] : memref<3276800xi32, #tpu.memory_space<hbm>> -> memref<512xi32, #tpu.memory_space<hbm>>
        %dma_wait3A_978 = arith.constant 0 : i32
        %dma_wait3A_979 = tpu.memref_slice %arg5[%run_scoped3A_189, %dma_wait3A_978] : memref<4x512xi32, #tpu.memory_space<vmem>> -> memref<1x512xi32, #tpu.memory_space<vmem>>
        %dma_wait3A_980 = tpu.memref_squeeze %dma_wait3A_979 : memref<1x512xi32, #tpu.memory_space<vmem>> -> memref<512xi32, #tpu.memory_space<vmem>>
        %dma_wait3A_981 = tpu.memref_slice %arg2[%add3A_188] : memref<3276800xi32, #tpu.memory_space<hbm>> -> memref<512xi32, #tpu.memory_space<hbm>>
        tpu.wait_dma2 semaphore(%run_scoped3A_965 : memref<!tpu.dma_semaphore, #tpu.memory_space<semaphore_mem>>) src(%dma_wait3A_981 : memref<512xi32, #tpu.memory_space<hbm>>) dst(%dma_wait3A_980 : memref<512xi32, #tpu.memory_space<vmem>>)
        tpu.yield
      }) : () -> ()
      %scan3A_190 = arith.constant 0 : i32
      %scan3A_191 = arith.constant 0 : i32
      %scan3A_192 = arith.constant 32 : i32
      %scan3A_193 = arith.addi %scan3A_191, %scan3A_192 : i32
      %scan3A_194 = arith.constant 1 : i32
      scf.for %scan3A_965 = %scan3A_191 to %scan3A_193 step %scan3A_194  : i32 {
        %mul3A_966 = arith.constant 16 : i32
        %mul3A_967 = arith.muli %scan3A_965, %mul3A_966 : i32
        %get3A = arith.constant 2 : i32
        %get3A_968 = arith.index_cast %get3A : i32 to index
        %get3A_969 = arith.index_cast %mul3A_967 : i32 to index
        %get3A_970 = tpu.vector_load %arg5[%get3A_968, %get3A_969] {strides = array<i32>} : memref<4x512xi32, #tpu.memory_space<vmem>>, vector<16xi32>,
        %shift_right_logical3A = arith.constant 3 : i32
        %shift_right_logical3A_971 = vector.broadcast %shift_right_logical3A : i32 to vector<16xi32>
        %shift_right_logical3A_972 = arith.shrui %get3A_970, %shift_right_logical3A_971 : vector<16xi32>
        %mul3A_973 = arith.constant 16 : i32
        %mul3A_974 = arith.muli %scan3A_965, %mul3A_973 : i32
        %swap3A = arith.constant 2 : i32
        %swap3A_975 = arith.index_cast %swap3A : i32 to index
        %swap3A_976 = arith.index_cast %mul3A_974 : i32 to index
        %swap3A_977 = tpu.vector_load %arg6[%swap3A_975, %swap3A_976] {strides = array<i32>} : memref<4x512xi32, #tpu.memory_space<vmem>>, vector<16xi32>,
        tpu.vector_store %arg6[%swap3A_975, %swap3A_976], %shift_right_logical3A_972 {strides = array<i32>} : memref<4x512xi32, #tpu.memory_space<vmem>>, vector<16xi32>,
      }
      %scan3A_195 = arith.constant 32 : i32
      %dma_start3A_196 = arith.constant 2 : i32
      %dma_start3A_197 = arith.constant 2 : i32
      %dma_start3A_198 = arith.constant 0 : i32
      %dma_start3A_199 = arith.constant 0 : i32
      %dma_start3A_200 = tpu.memref_slice %arg7[%dma_start3A_197, %dma_start3A_198, %dma_start3A_199] : memref<4x512x40xf32, #tpu.memory_space<vmem>> -> memref<1x512x40xf32, #tpu.memory_space<vmem>>
      %dma_start3A_201 = tpu.memref_squeeze %dma_start3A_200 : memref<1x512x40xf32, #tpu.memory_space<vmem>> -> memref<512x40xf32, #tpu.memory_space<vmem>>
      %dma_start3A_202 = arith.constant 0 : i32
      %dma_start3A_203 = tpu.memref_slice %arg6[%dma_start3A_196, %dma_start3A_202] : memref<4x512xi32, #tpu.memory_space<vmem>> -> memref<1x512xi32, #tpu.memory_space<vmem>>
      %dma_start3A_204 = tpu.memref_squeeze %dma_start3A_203 : memref<1x512xi32, #tpu.memory_space<vmem>> -> memref<512xi32, #tpu.memory_space<vmem>>
      %dma_start3A_205 = arith.constant 0 : i32
      %dma_start3A_206 = arith.constant 0 : i32
      %dma_start3A_207 = tpu.memref_slice %arg3[%dma_start3A_205, %dma_start3A_206] : memref<125000x40xf32, #tpu.memory_space<hbm>> -> memref<125000x40xf32, #tpu.memory_space<hbm>>
      tpu.enqueue_indirect_dma source(%dma_start3A_207 : memref<125000x40xf32, #tpu.memory_space<hbm>>) target(%dma_start3A_201 : memref<512x40xf32, #tpu.memory_space<vmem>>) offsets(%dma_start3A_204 : memref<512xi32, #tpu.memory_space<vmem>>) semaphore(%arg9 : memref<!tpu.dma_semaphore, #tpu.memory_space<semaphore_mem>>)
      %mul3A_208 = arith.constant 4 : i32
      %mul3A_209 = arith.muli %mul3A_208, %scan3A_6 : i32
      %add3A_210 = arith.constant 3 : i32
      %add3A_211 = arith.addi %mul3A_209, %add3A_210 : i32
      %jit3A_212 = arith.constant 8 : i32
      %div3A_213 = arith.divsi %add3A_211, %jit3A_212 : i32
      %sign3A_214 = arith.constant 0 : i32
      %sign3A_215 = arith.cmpi sgt, %add3A_211, %sign3A_214 : i32
      %sign3A_216 = arith.extui %sign3A_215 : i1 to i32
      %sign3A_217 = arith.constant 0 : i32
      %sign3A_218 = arith.cmpi slt, %add3A_211, %sign3A_217 : i32
      %sign3A_219 = arith.extui %sign3A_218 : i1 to i32
      %sign3A_220 = arith.subi %sign3A_216, %sign3A_219 : i32
      %sign3A_221 = arith.constant 0 : i32
      %sign3A_222 = arith.cmpi sgt, %jit3A_212, %sign3A_221 : i32
      %sign3A_223 = arith.extui %sign3A_222 : i1 to i32
      %sign3A_224 = arith.constant 0 : i32
      %sign3A_225 = arith.cmpi slt, %jit3A_212, %sign3A_224 : i32
      %sign3A_226 = arith.extui %sign3A_225 : i1 to i32
      %sign3A_227 = arith.subi %sign3A_223, %sign3A_226 : i32
      %ne3A_228 = arith.cmpi ne, %sign3A_220, %sign3A_227 : i32
      %rem3A_229 = arith.remsi %add3A_211, %jit3A_212 : i32
      %ne3A_230 = arith.constant 0 : i32
      %ne3A_231 = arith.cmpi ne, %rem3A_229, %ne3A_230 : i32
      %and3A_232 = arith.andi %ne3A_228, %ne3A_231 : i1
      %sub3A_233 = arith.constant 1 : i32
      %sub3A_234 = arith.subi %div3A_213, %sub3A_233 : i32
      %select_n3A_235 = arith.select %and3A_232, %sub3A_234, %div3A_213 : i32
      %jit3A_236 = arith.constant 8 : i32
      %eq3A_237 = arith.constant 0 : i32
      %eq3A_238 = arith.cmpi eq, %jit3A_236, %eq3A_237 : i32
      %jit3A_239 = arith.constant 1 : i32
      %select_n3A_240 = arith.select %eq3A_238, %jit3A_239, %jit3A_236 : i32
      %rem3A_241 = arith.remsi %add3A_211, %select_n3A_240 : i32
      %ne3A_242 = arith.constant 0 : i32
      %ne3A_243 = arith.cmpi ne, %rem3A_241, %ne3A_242 : i32
      %lt3A_244 = arith.constant 0 : i32
      %lt3A_245 = arith.cmpi slt, %rem3A_241, %lt3A_244 : i32
      %lt3A_246 = arith.constant 0 : i32
      %lt3A_247 = arith.cmpi slt, %select_n3A_240, %lt3A_246 : i32
      %ne3A_248 = arith.xori %lt3A_245, %lt3A_247 : i1
      %and3A_249 = arith.andi %ne3A_248, %ne3A_243 : i1
      %add3A_250 = arith.addi %rem3A_241, %select_n3A_240 : i32
      %select_n3A_251 = arith.select %and3A_249, %add3A_250, %rem3A_241 : i32
      %mul3A_252 = arith.constant 131072 : i32
      %mul3A_253 = arith.muli %select_n3A_235, %mul3A_252 : i32
      %mul3A_254 = arith.constant 8 : i32
      %mul3A_255 = arith.muli %add3A, %mul3A_254 : i32
      %add3A_256 = arith.addi %mul3A_255, %select_n3A_251 : i32
      %mul3A_257 = arith.constant 512 : i32
      %mul3A_258 = arith.muli %add3A_256, %mul3A_257 : i32
      %add3A_259 = arith.addi %mul3A_253, %mul3A_258 : i32
      %run_scoped3A_260 = arith.constant 3 : i32
      "tpu.region"() ({
        %run_scoped3A_965 = tpu.sem_alloc : memref<!tpu.dma_semaphore, #tpu.memory_space<semaphore_mem>>
        %dma_start3A_966 = arith.constant 0 : i32
        %dma_start3A_967 = tpu.memref_slice %arg5[%run_scoped3A_260, %dma_start3A_966] : memref<4x512xi32, #tpu.memory_space<vmem>> -> memref<1x512xi32, #tpu.memory_space<vmem>>
        %dma_start3A_968 = tpu.memref_squeeze %dma_start3A_967 : memref<1x512xi32, #tpu.memory_space<vmem>> -> memref<512xi32, #tpu.memory_space<vmem>>
        %dma_start3A_969 = tpu.memref_slice %arg2[%add3A_259] : memref<3276800xi32, #tpu.memory_space<hbm>> -> memref<512xi32, #tpu.memory_space<hbm>>
        %dma_start3A_970 = arith.constant 0 : i32
        %dma_start3A_971 = tpu.memref_slice %arg5[%run_scoped3A_260, %dma_start3A_970] : memref<4x512xi32, #tpu.memory_space<vmem>> -> memref<1x512xi32, #tpu.memory_space<vmem>>
        %dma_start3A_972 = tpu.memref_squeeze %dma_start3A_971 : memref<1x512xi32, #tpu.memory_space<vmem>> -> memref<512xi32, #tpu.memory_space<vmem>>
        %dma_start3A_973 = tpu.memref_slice %arg2[%add3A_259] : memref<3276800xi32, #tpu.memory_space<hbm>> -> memref<512xi32, #tpu.memory_space<hbm>>
        tpu.enqueue_dma source(%dma_start3A_973 : memref<512xi32, #tpu.memory_space<hbm>>) target(%dma_start3A_972 : memref<512xi32, #tpu.memory_space<vmem>>) target_semaphore(%run_scoped3A_965 : memref<!tpu.dma_semaphore, #tpu.memory_space<semaphore_mem>>)
        %dma_wait3A_974 = arith.constant 0 : i32
        %dma_wait3A_975 = tpu.memref_slice %arg5[%run_scoped3A_260, %dma_wait3A_974] : memref<4x512xi32, #tpu.memory_space<vmem>> -> memref<1x512xi32, #tpu.memory_space<vmem>>
        %dma_wait3A_976 = tpu.memref_squeeze %dma_wait3A_975 : memref<1x512xi32, #tpu.memory_space<vmem>> -> memref<512xi32, #tpu.memory_space<vmem>>
        %dma_wait3A_977 = tpu.memref_slice %arg2[%add3A_259] : memref<3276800xi32, #tpu.memory_space<hbm>> -> memref<512xi32, #tpu.memory_space<hbm>>
        %dma_wait3A_978 = arith.constant 0 : i32
        %dma_wait3A_979 = tpu.memref_slice %arg5[%run_scoped3A_260, %dma_wait3A_978] : memref<4x512xi32, #tpu.memory_space<vmem>> -> memref<1x512xi32, #tpu.memory_space<vmem>>
        %dma_wait3A_980 = tpu.memref_squeeze %dma_wait3A_979 : memref<1x512xi32, #tpu.memory_space<vmem>> -> memref<512xi32, #tpu.memory_space<vmem>>
        %dma_wait3A_981 = tpu.memref_slice %arg2[%add3A_259] : memref<3276800xi32, #tpu.memory_space<hbm>> -> memref<512xi32, #tpu.memory_space<hbm>>
        tpu.wait_dma2 semaphore(%run_scoped3A_965 : memref<!tpu.dma_semaphore, #tpu.memory_space<semaphore_mem>>) src(%dma_wait3A_981 : memref<512xi32, #tpu.memory_space<hbm>>) dst(%dma_wait3A_980 : memref<512xi32, #tpu.memory_space<vmem>>)
        tpu.yield
      }) : () -> ()
      %scan3A_261 = arith.constant 0 : i32
      %scan3A_262 = arith.constant 0 : i32
      %scan3A_263 = arith.constant 32 : i32
      %scan3A_264 = arith.addi %scan3A_262, %scan3A_263 : i32
      %scan3A_265 = arith.constant 1 : i32
      scf.for %scan3A_965 = %scan3A_262 to %scan3A_264 step %scan3A_265  : i32 {
        %mul3A_966 = arith.constant 16 : i32
        %mul3A_967 = arith.muli %scan3A_965, %mul3A_966 : i32
        %get3A = arith.constant 3 : i32
        %get3A_968 = arith.index_cast %get3A : i32 to index
        %get3A_969 = arith.index_cast %mul3A_967 : i32 to index
        %get3A_970 = tpu.vector_load %arg5[%get3A_968, %get3A_969] {strides = array<i32>} : memref<4x512xi32, #tpu.memory_space<vmem>>, vector<16xi32>,
        %shift_right_logical3A = arith.constant 3 : i32
        %shift_right_logical3A_971 = vector.broadcast %shift_right_logical3A : i32 to vector<16xi32>
        %shift_right_logical3A_972 = arith.shrui %get3A_970, %shift_right_logical3A_971 : vector<16xi32>
        %mul3A_973 = arith.constant 16 : i32
        %mul3A_974 = arith.muli %scan3A_965, %mul3A_973 : i32
        %swap3A = arith.constant 3 : i32
        %swap3A_975 = arith.index_cast %swap3A : i32 to index
        %swap3A_976 = arith.index_cast %mul3A_974 : i32 to index
        %swap3A_977 = tpu.vector_load %arg6[%swap3A_975, %swap3A_976] {strides = array<i32>} : memref<4x512xi32, #tpu.memory_space<vmem>>, vector<16xi32>,
        tpu.vector_store %arg6[%swap3A_975, %swap3A_976], %shift_right_logical3A_972 {strides = array<i32>} : memref<4x512xi32, #tpu.memory_space<vmem>>, vector<16xi32>,
      }
      %scan3A_266 = arith.constant 32 : i32
      %dma_start3A_267 = arith.constant 3 : i32
      %dma_start3A_268 = arith.constant 3 : i32
      %dma_start3A_269 = arith.constant 0 : i32
      %dma_start3A_270 = arith.constant 0 : i32
      %dma_start3A_271 = tpu.memref_slice %arg7[%dma_start3A_268, %dma_start3A_269, %dma_start3A_270] : memref<4x512x40xf32, #tpu.memory_space<vmem>> -> memref<1x512x40xf32, #tpu.memory_space<vmem>>
      %dma_start3A_272 = tpu.memref_squeeze %dma_start3A_271 : memref<1x512x40xf32, #tpu.memory_space<vmem>> -> memref<512x40xf32, #tpu.memory_space<vmem>>
      %dma_start3A_273 = arith.constant 0 : i32
      %dma_start3A_274 = tpu.memref_slice %arg6[%dma_start3A_267, %dma_start3A_273] : memref<4x512xi32, #tpu.memory_space<vmem>> -> memref<1x512xi32, #tpu.memory_space<vmem>>
      %dma_start3A_275 = tpu.memref_squeeze %dma_start3A_274 : memref<1x512xi32, #tpu.memory_space<vmem>> -> memref<512xi32, #tpu.memory_space<vmem>>
      %dma_start3A_276 = arith.constant 0 : i32
      %dma_start3A_277 = arith.constant 0 : i32
      %dma_start3A_278 = tpu.memref_slice %arg3[%dma_start3A_276, %dma_start3A_277] : memref<125000x40xf32, #tpu.memory_space<hbm>> -> memref<125000x40xf32, #tpu.memory_space<hbm>>
      tpu.enqueue_indirect_dma source(%dma_start3A_278 : memref<125000x40xf32, #tpu.memory_space<hbm>>) target(%dma_start3A_272 : memref<512x40xf32, #tpu.memory_space<vmem>>) offsets(%dma_start3A_275 : memref<512xi32, #tpu.memory_space<vmem>>) semaphore(%arg9 : memref<!tpu.dma_semaphore, #tpu.memory_space<semaphore_mem>>)
      %dma_wait3A = arith.constant 0 : i32
      %dma_wait3A_279 = arith.constant 0 : i32
      %dma_wait3A_280 = arith.constant 0 : i32
      %dma_wait3A_281 = arith.constant 0 : i32
      %dma_wait3A_282 = tpu.memref_slice %arg7[%dma_wait3A_279, %dma_wait3A_280, %dma_wait3A_281] : memref<4x512x40xf32, #tpu.memory_space<vmem>> -> memref<1x512x40xf32, #tpu.memory_space<vmem>>
      %dma_wait3A_283 = tpu.memref_squeeze %dma_wait3A_282 : memref<1x512x40xf32, #tpu.memory_space<vmem>> -> memref<512x40xf32, #tpu.memory_space<vmem>>
      %dma_wait3A_284 = arith.constant 0 : i32
      %dma_wait3A_285 = tpu.memref_slice %arg6[%dma_wait3A, %dma_wait3A_284] : memref<4x512xi32, #tpu.memory_space<vmem>> -> memref<1x512xi32, #tpu.memory_space<vmem>>
      %dma_wait3A_286 = tpu.memref_squeeze %dma_wait3A_285 : memref<1x512xi32, #tpu.memory_space<vmem>> -> memref<512xi32, #tpu.memory_space<vmem>>
      %dma_wait3A_287 = arith.constant 0 : i32
      %dma_wait3A_288 = arith.constant 0 : i32
      %dma_wait3A_289 = tpu.memref_slice %arg3[%dma_wait3A_287, %dma_wait3A_288] : memref<125000x40xf32, #tpu.memory_space<hbm>> -> memref<125000x40xf32, #tpu.memory_space<hbm>>
      tpu.wait_indirect_dma semaphore(%arg9 : memref<!tpu.dma_semaphore, #tpu.memory_space<semaphore_mem>>) src(%dma_wait3A_289 : memref<125000x40xf32, #tpu.memory_space<hbm>>) dst(%dma_wait3A_283 : memref<512x40xf32, #tpu.memory_space<vmem>>)
      %mul3A_290 = arith.constant 4 : i32
      %mul3A_291 = arith.muli %mul3A_290, %scan3A_6 : i32
      %add3A_292 = arith.constant 0 : i32
      %add3A_293 = arith.addi %mul3A_291, %add3A_292 : i32
      %broadcast_in_dim3A = arith.constant 0 : i32
      %broadcast_in_dim3A_294 = vector.broadcast %broadcast_in_dim3A : i32 to vector<16xi32>
      %scan3A_295 = arith.constant 0 : i32
      %scan3A_296 = arith.constant 0 : i32
      %scan3A_297 = arith.constant 32 : i32
      %scan3A_298 = arith.addi %scan3A_296, %scan3A_297 : i32
      %scan3A_299 = arith.constant 1 : i32
      scf.for %scan3A_965 = %scan3A_296 to %scan3A_298 step %scan3A_299  : i32 {
        %mul3A_966 = arith.constant 16 : i32
        %mul3A_967 = arith.muli %scan3A_965, %mul3A_966 : i32
        %get3A = arith.constant 0 : i32
        %get3A_968 = arith.index_cast %get3A : i32 to index
        %get3A_969 = arith.index_cast %mul3A_967 : i32 to index
        %get3A_970 = tpu.vector_load %arg5[%get3A_968, %get3A_969] {strides = array<i32>} : memref<4x512xi32, #tpu.memory_space<vmem>>, vector<16xi32>,
        %and3A_971 = arith.constant 7 : i32
        %and3A_972 = vector.broadcast %and3A_971 : i32 to vector<16xi32>
        %and3A_973 = arith.andi %get3A_970, %and3A_972 : vector<16xi32>
        %mul3A_974 = arith.constant 5 : i32
        %mul3A_975 = vector.broadcast %mul3A_974 : i32 to vector<16xi32>
        %mul3A_976 = arith.muli %and3A_973, %mul3A_975 : vector<16xi32>
        %mul3A_977 = arith.constant 16 : i32
        %mul3A_978 = arith.muli %scan3A_965, %mul3A_977 : i32
        %add3A_979 = vector.broadcast %mul3A_978 : i32 to vector<16xi32>
        %add3A_980 = arith.addi %add3A_979, %iota3A : vector<16xi32>
        %add3A_981 = arith.constant 0 : i32
        %add3A_982 = vector.broadcast %add3A_981 : i32 to vector<16xi32>
        %add3A_983 = arith.addi %mul3A_976, %add3A_982 : vector<16xi32>
        %gather3A = tpu.vector_load_idx %arg7[%broadcast_in_dim3A_294, %add3A_980, %add3A_983] : memref<4x512x40xf32, #tpu.memory_space<vmem>>[vector<16xi32>, vector<16xi32>, vector<16xi32>], vector<16xf32>,
        %mul3A_984 = arith.constant 16 : i32
        %mul3A_985 = arith.muli %scan3A_965, %mul3A_984 : i32
        %swap3A = arith.constant 0 : i32
        %swap3A_986 = arith.index_cast %swap3A : i32 to index
        %swap3A_987 = arith.index_cast %mul3A_985 : i32 to index
        %swap3A_988 = tpu.vector_load %arg8[%swap3A_986, %swap3A_987] {strides = array<i32>} : memref<20x512xf32, #tpu.memory_space<vmem>>, vector<16xf32>,
        tpu.vector_store %arg8[%swap3A_986, %swap3A_987], %gather3A {strides = array<i32>} : memref<20x512xf32, #tpu.memory_space<vmem>>, vector<16xf32>,
        %add3A_989 = arith.constant 1 : i32
        %add3A_990 = vector.broadcast %add3A_989 : i32 to vector<16xi32>
        %add3A_991 = arith.addi %mul3A_976, %add3A_990 : vector<16xi32>
        %gather3A_992 = tpu.vector_load_idx %arg7[%broadcast_in_dim3A_294, %add3A_980, %add3A_991] : memref<4x512x40xf32, #tpu.memory_space<vmem>>[vector<16xi32>, vector<16xi32>, vector<16xi32>], vector<16xf32>,
        %mul3A_993 = arith.constant 16 : i32
        %mul3A_994 = arith.muli %scan3A_965, %mul3A_993 : i32
        %swap3A_995 = arith.constant 1 : i32
        %swap3A_996 = arith.index_cast %swap3A_995 : i32 to index
        %swap3A_997 = arith.index_cast %mul3A_994 : i32 to index
        %swap3A_998 = tpu.vector_load %arg8[%swap3A_996, %swap3A_997] {strides = array<i32>} : memref<20x512xf32, #tpu.memory_space<vmem>>, vector<16xf32>,
        tpu.vector_store %arg8[%swap3A_996, %swap3A_997], %gather3A_992 {strides = array<i32>} : memref<20x512xf32, #tpu.memory_space<vmem>>, vector<16xf32>,
        %add3A_999 = arith.constant 2 : i32
        %add3A_1000 = vector.broadcast %add3A_999 : i32 to vector<16xi32>
        %add3A_1001 = arith.addi %mul3A_976, %add3A_1000 : vector<16xi32>
        %gather3A_1002 = tpu.vector_load_idx %arg7[%broadcast_in_dim3A_294, %add3A_980, %add3A_1001] : memref<4x512x40xf32, #tpu.memory_space<vmem>>[vector<16xi32>, vector<16xi32>, vector<16xi32>], vector<16xf32>,
        %mul3A_1003 = arith.constant 16 : i32
        %mul3A_1004 = arith.muli %scan3A_965, %mul3A_1003 : i32
        %swap3A_1005 = arith.constant 2 : i32
        %swap3A_1006 = arith.index_cast %swap3A_1005 : i32 to index
        %swap3A_1007 = arith.index_cast %mul3A_1004 : i32 to index
        %swap3A_1008 = tpu.vector_load %arg8[%swap3A_1006, %swap3A_1007] {strides = array<i32>} : memref<20x512xf32, #tpu.memory_space<vmem>>, vector<16xf32>,
        tpu.vector_store %arg8[%swap3A_1006, %swap3A_1007], %gather3A_1002 {strides = array<i32>} : memref<20x512xf32, #tpu.memory_space<vmem>>, vector<16xf32>,
        %add3A_1009 = arith.constant 3 : i32
        %add3A_1010 = vector.broadcast %add3A_1009 : i32 to vector<16xi32>
        %add3A_1011 = arith.addi %mul3A_976, %add3A_1010 : vector<16xi32>
        %gather3A_1012 = tpu.vector_load_idx %arg7[%broadcast_in_dim3A_294, %add3A_980, %add3A_1011] : memref<4x512x40xf32, #tpu.memory_space<vmem>>[vector<16xi32>, vector<16xi32>, vector<16xi32>], vector<16xf32>,
        %mul3A_1013 = arith.constant 16 : i32
        %mul3A_1014 = arith.muli %scan3A_965, %mul3A_1013 : i32
        %swap3A_1015 = arith.constant 3 : i32
        %swap3A_1016 = arith.index_cast %swap3A_1015 : i32 to index
        %swap3A_1017 = arith.index_cast %mul3A_1014 : i32 to index
        %swap3A_1018 = tpu.vector_load %arg8[%swap3A_1016, %swap3A_1017] {strides = array<i32>} : memref<20x512xf32, #tpu.memory_space<vmem>>, vector<16xf32>,
        tpu.vector_store %arg8[%swap3A_1016, %swap3A_1017], %gather3A_1012 {strides = array<i32>} : memref<20x512xf32, #tpu.memory_space<vmem>>, vector<16xf32>,
        %add3A_1019 = arith.constant 4 : i32
        %add3A_1020 = vector.broadcast %add3A_1019 : i32 to vector<16xi32>
        %add3A_1021 = arith.addi %mul3A_976, %add3A_1020 : vector<16xi32>
        %gather3A_1022 = tpu.vector_load_idx %arg7[%broadcast_in_dim3A_294, %add3A_980, %add3A_1021] : memref<4x512x40xf32, #tpu.memory_space<vmem>>[vector<16xi32>, vector<16xi32>, vector<16xi32>], vector<16xf32>,
        %mul3A_1023 = arith.constant 16 : i32
        %mul3A_1024 = arith.muli %scan3A_965, %mul3A_1023 : i32
        %swap3A_1025 = arith.constant 4 : i32
        %swap3A_1026 = arith.index_cast %swap3A_1025 : i32 to index
        %swap3A_1027 = arith.index_cast %mul3A_1024 : i32 to index
        %swap3A_1028 = tpu.vector_load %arg8[%swap3A_1026, %swap3A_1027] {strides = array<i32>} : memref<20x512xf32, #tpu.memory_space<vmem>>, vector<16xf32>,
        tpu.vector_store %arg8[%swap3A_1026, %swap3A_1027], %gather3A_1022 {strides = array<i32>} : memref<20x512xf32, #tpu.memory_space<vmem>>, vector<16xf32>,
      }
      %scan3A_300 = arith.constant 32 : i32
      %jit3A_301 = arith.constant 8 : i32
      %div3A_302 = arith.divsi %add3A_293, %jit3A_301 : i32
      %sign3A_303 = arith.constant 0 : i32
      %sign3A_304 = arith.cmpi sgt, %add3A_293, %sign3A_303 : i32
      %sign3A_305 = arith.extui %sign3A_304 : i1 to i32
      %sign3A_306 = arith.constant 0 : i32
      %sign3A_307 = arith.cmpi slt, %add3A_293, %sign3A_306 : i32
      %sign3A_308 = arith.extui %sign3A_307 : i1 to i32
      %sign3A_309 = arith.subi %sign3A_305, %sign3A_308 : i32
      %sign3A_310 = arith.constant 0 : i32
      %sign3A_311 = arith.cmpi sgt, %jit3A_301, %sign3A_310 : i32
      %sign3A_312 = arith.extui %sign3A_311 : i1 to i32
      %sign3A_313 = arith.constant 0 : i32
      %sign3A_314 = arith.cmpi slt, %jit3A_301, %sign3A_313 : i32
      %sign3A_315 = arith.extui %sign3A_314 : i1 to i32
      %sign3A_316 = arith.subi %sign3A_312, %sign3A_315 : i32
      %ne3A_317 = arith.cmpi ne, %sign3A_309, %sign3A_316 : i32
      %rem3A_318 = arith.remsi %add3A_293, %jit3A_301 : i32
      %ne3A_319 = arith.constant 0 : i32
      %ne3A_320 = arith.cmpi ne, %rem3A_318, %ne3A_319 : i32
      %and3A_321 = arith.andi %ne3A_317, %ne3A_320 : i1
      %sub3A_322 = arith.constant 1 : i32
      %sub3A_323 = arith.subi %div3A_302, %sub3A_322 : i32
      %select_n3A_324 = arith.select %and3A_321, %sub3A_323, %div3A_302 : i32
      %jit3A_325 = arith.constant 8 : i32
      %eq3A_326 = arith.constant 0 : i32
      %eq3A_327 = arith.cmpi eq, %jit3A_325, %eq3A_326 : i32
      %jit3A_328 = arith.constant 1 : i32
      %select_n3A_329 = arith.select %eq3A_327, %jit3A_328, %jit3A_325 : i32
      %rem3A_330 = arith.remsi %add3A_293, %select_n3A_329 : i32
      %ne3A_331 = arith.constant 0 : i32
      %ne3A_332 = arith.cmpi ne, %rem3A_330, %ne3A_331 : i32
      %lt3A_333 = arith.constant 0 : i32
      %lt3A_334 = arith.cmpi slt, %rem3A_330, %lt3A_333 : i32
      %lt3A_335 = arith.constant 0 : i32
      %lt3A_336 = arith.cmpi slt, %select_n3A_329, %lt3A_335 : i32
      %ne3A_337 = arith.xori %lt3A_334, %lt3A_336 : i1
      %and3A_338 = arith.andi %ne3A_337, %ne3A_332 : i1
      %add3A_339 = arith.addi %rem3A_330, %select_n3A_329 : i32
      %select_n3A_340 = arith.select %and3A_338, %add3A_339, %rem3A_330 : i32
      %mul3A_341 = arith.constant 131072 : i32
      %mul3A_342 = arith.muli %select_n3A_324, %mul3A_341 : i32
      %mul3A_343 = arith.constant 8 : i32
      %mul3A_344 = arith.muli %add3A, %mul3A_343 : i32
      %add3A_345 = arith.addi %mul3A_344, %select_n3A_340 : i32
      %mul3A_346 = arith.constant 512 : i32
      %mul3A_347 = arith.muli %add3A_345, %mul3A_346 : i32
      %add3A_348 = arith.addi %mul3A_342, %mul3A_347 : i32
      %add3A_349 = arith.constant 0 : i32
      %add3A_350 = arith.addi %add3A_349, %add3A_348 : i32
      %dma_start3A_351 = arith.constant 0 : i32
      %dma_start3A_352 = arith.constant 0 : i32
      %dma_start3A_353 = tpu.memref_slice %arg8[%dma_start3A_351, %dma_start3A_352] : memref<20x512xf32, #tpu.memory_space<vmem>> -> memref<1x512xf32, #tpu.memory_space<vmem>>
      %dma_start3A_354 = tpu.memref_squeeze %dma_start3A_353 : memref<1x512xf32, #tpu.memory_space<vmem>> -> memref<512xf32, #tpu.memory_space<vmem>>
      %dma_start3A_355 = tpu.memref_slice %arg4[%add3A_350] : memref<16384000xf32, #tpu.memory_space<hbm>> -> memref<512xf32, #tpu.memory_space<hbm>>
      %dma_start3A_356 = tpu.memref_slice %arg4[%add3A_350] : memref<16384000xf32, #tpu.memory_space<hbm>> -> memref<512xf32, #tpu.memory_space<hbm>>
      %dma_start3A_357 = arith.constant 0 : i32
      %dma_start3A_358 = tpu.memref_slice %arg8[%dma_start3A_351, %dma_start3A_357] : memref<20x512xf32, #tpu.memory_space<vmem>> -> memref<1x512xf32, #tpu.memory_space<vmem>>
      %dma_start3A_359 = tpu.memref_squeeze %dma_start3A_358 : memref<1x512xf32, #tpu.memory_space<vmem>> -> memref<512xf32, #tpu.memory_space<vmem>>
      tpu.enqueue_dma source(%dma_start3A_359 : memref<512xf32, #tpu.memory_space<vmem>>) target(%dma_start3A_356 : memref<512xf32, #tpu.memory_space<hbm>>) target_semaphore(%arg10 : memref<!tpu.dma_semaphore, #tpu.memory_space<semaphore_mem>>)
      %add3A_360 = arith.constant 3276800 : i32
      %add3A_361 = arith.addi %add3A_360, %add3A_348 : i32
      %dma_start3A_362 = arith.constant 1 : i32
      %dma_start3A_363 = arith.constant 0 : i32
      %dma_start3A_364 = tpu.memref_slice %arg8[%dma_start3A_362, %dma_start3A_363] : memref<20x512xf32, #tpu.memory_space<vmem>> -> memref<1x512xf32, #tpu.memory_space<vmem>>
      %dma_start3A_365 = tpu.memref_squeeze %dma_start3A_364 : memref<1x512xf32, #tpu.memory_space<vmem>> -> memref<512xf32, #tpu.memory_space<vmem>>
      %dma_start3A_366 = tpu.memref_slice %arg4[%add3A_361] : memref<16384000xf32, #tpu.memory_space<hbm>> -> memref<512xf32, #tpu.memory_space<hbm>>
      %dma_start3A_367 = tpu.memref_slice %arg4[%add3A_361] : memref<16384000xf32, #tpu.memory_space<hbm>> -> memref<512xf32, #tpu.memory_space<hbm>>
      %dma_start3A_368 = arith.constant 0 : i32
      %dma_start3A_369 = tpu.memref_slice %arg8[%dma_start3A_362, %dma_start3A_368] : memref<20x512xf32, #tpu.memory_space<vmem>> -> memref<1x512xf32, #tpu.memory_space<vmem>>
      %dma_start3A_370 = tpu.memref_squeeze %dma_start3A_369 : memref<1x512xf32, #tpu.memory_space<vmem>> -> memref<512xf32, #tpu.memory_space<vmem>>
      tpu.enqueue_dma source(%dma_start3A_370 : memref<512xf32, #tpu.memory_space<vmem>>) target(%dma_start3A_367 : memref<512xf32, #tpu.memory_space<hbm>>) target_semaphore(%arg10 : memref<!tpu.dma_semaphore, #tpu.memory_space<semaphore_mem>>)
      %add3A_371 = arith.constant 6553600 : i32
      %add3A_372 = arith.addi %add3A_371, %add3A_348 : i32
      %dma_start3A_373 = arith.constant 2 : i32
      %dma_start3A_374 = arith.constant 0 : i32
      %dma_start3A_375 = tpu.memref_slice %arg8[%dma_start3A_373, %dma_start3A_374] : memref<20x512xf32, #tpu.memory_space<vmem>> -> memref<1x512xf32, #tpu.memory_space<vmem>>
      %dma_start3A_376 = tpu.memref_squeeze %dma_start3A_375 : memref<1x512xf32, #tpu.memory_space<vmem>> -> memref<512xf32, #tpu.memory_space<vmem>>
      %dma_start3A_377 = tpu.memref_slice %arg4[%add3A_372] : memref<16384000xf32, #tpu.memory_space<hbm>> -> memref<512xf32, #tpu.memory_space<hbm>>
      %dma_start3A_378 = tpu.memref_slice %arg4[%add3A_372] : memref<16384000xf32, #tpu.memory_space<hbm>> -> memref<512xf32, #tpu.memory_space<hbm>>
      %dma_start3A_379 = arith.constant 0 : i32
      %dma_start3A_380 = tpu.memref_slice %arg8[%dma_start3A_373, %dma_start3A_379] : memref<20x512xf32, #tpu.memory_space<vmem>> -> memref<1x512xf32, #tpu.memory_space<vmem>>
      %dma_start3A_381 = tpu.memref_squeeze %dma_start3A_380 : memref<1x512xf32, #tpu.memory_space<vmem>> -> memref<512xf32, #tpu.memory_space<vmem>>
      tpu.enqueue_dma source(%dma_start3A_381 : memref<512xf32, #tpu.memory_space<vmem>>) target(%dma_start3A_378 : memref<512xf32, #tpu.memory_space<hbm>>) target_semaphore(%arg10 : memref<!tpu.dma_semaphore, #tpu.memory_space<semaphore_mem>>)
      %add3A_382 = arith.constant 9830400 : i32
      %add3A_383 = arith.addi %add3A_382, %add3A_348 : i32
      %dma_start3A_384 = arith.constant 3 : i32
      %dma_start3A_385 = arith.constant 0 : i32
      %dma_start3A_386 = tpu.memref_slice %arg8[%dma_start3A_384, %dma_start3A_385] : memref<20x512xf32, #tpu.memory_space<vmem>> -> memref<1x512xf32, #tpu.memory_space<vmem>>
      %dma_start3A_387 = tpu.memref_squeeze %dma_start3A_386 : memref<1x512xf32, #tpu.memory_space<vmem>> -> memref<512xf32, #tpu.memory_space<vmem>>
      %dma_start3A_388 = tpu.memref_slice %arg4[%add3A_383] : memref<16384000xf32, #tpu.memory_space<hbm>> -> memref<512xf32, #tpu.memory_space<hbm>>
      %dma_start3A_389 = tpu.memref_slice %arg4[%add3A_383] : memref<16384000xf32, #tpu.memory_space<hbm>> -> memref<512xf32, #tpu.memory_space<hbm>>
      %dma_start3A_390 = arith.constant 0 : i32
      %dma_start3A_391 = tpu.memref_slice %arg8[%dma_start3A_384, %dma_start3A_390] : memref<20x512xf32, #tpu.memory_space<vmem>> -> memref<1x512xf32, #tpu.memory_space<vmem>>
      %dma_start3A_392 = tpu.memref_squeeze %dma_start3A_391 : memref<1x512xf32, #tpu.memory_space<vmem>> -> memref<512xf32, #tpu.memory_space<vmem>>
      tpu.enqueue_dma source(%dma_start3A_392 : memref<512xf32, #tpu.memory_space<vmem>>) target(%dma_start3A_389 : memref<512xf32, #tpu.memory_space<hbm>>) target_semaphore(%arg10 : memref<!tpu.dma_semaphore, #tpu.memory_space<semaphore_mem>>)
      %add3A_393 = arith.constant 13107200 : i32
      %add3A_394 = arith.addi %add3A_393, %add3A_348 : i32
      %dma_start3A_395 = arith.constant 4 : i32
      %dma_start3A_396 = arith.constant 0 : i32
      %dma_start3A_397 = tpu.memref_slice %arg8[%dma_start3A_395, %dma_start3A_396] : memref<20x512xf32, #tpu.memory_space<vmem>> -> memref<1x512xf32, #tpu.memory_space<vmem>>
      %dma_start3A_398 = tpu.memref_squeeze %dma_start3A_397 : memref<1x512xf32, #tpu.memory_space<vmem>> -> memref<512xf32, #tpu.memory_space<vmem>>
      %dma_start3A_399 = tpu.memref_slice %arg4[%add3A_394] : memref<16384000xf32, #tpu.memory_space<hbm>> -> memref<512xf32, #tpu.memory_space<hbm>>
      %dma_start3A_400 = tpu.memref_slice %arg4[%add3A_394] : memref<16384000xf32, #tpu.memory_space<hbm>> -> memref<512xf32, #tpu.memory_space<hbm>>
      %dma_start3A_401 = arith.constant 0 : i32
      %dma_start3A_402 = tpu.memref_slice %arg8[%dma_start3A_395, %dma_start3A_401] : memref<20x512xf32, #tpu.memory_space<vmem>> -> memref<1x512xf32, #tpu.memory_space<vmem>>
      %dma_start3A_403 = tpu.memref_squeeze %dma_start3A_402 : memref<1x512xf32, #tpu.memory_space<vmem>> -> memref<512xf32, #tpu.memory_space<vmem>>
      tpu.enqueue_dma source(%dma_start3A_403 : memref<512xf32, #tpu.memory_space<vmem>>) target(%dma_start3A_400 : memref<512xf32, #tpu.memory_space<hbm>>) target_semaphore(%arg10 : memref<!tpu.dma_semaphore, #tpu.memory_space<semaphore_mem>>)
      %dma_wait3A_404 = arith.constant 1 : i32
      %dma_wait3A_405 = arith.constant 1 : i32
      %dma_wait3A_406 = arith.constant 0 : i32
      %dma_wait3A_407 = arith.constant 0 : i32
      %dma_wait3A_408 = tpu.memref_slice %arg7[%dma_wait3A_405, %dma_wait3A_406, %dma_wait3A_407] : memref<4x512x40xf32, #tpu.memory_space<vmem>> -> memref<1x512x40xf32, #tpu.memory_space<vmem>>
      %dma_wait3A_409 = tpu.memref_squeeze %dma_wait3A_408 : memref<1x512x40xf32, #tpu.memory_space<vmem>> -> memref<512x40xf32, #tpu.memory_space<vmem>>
      %dma_wait3A_410 = arith.constant 0 : i32
      %dma_wait3A_411 = tpu.memref_slice %arg6[%dma_wait3A_404, %dma_wait3A_410] : memref<4x512xi32, #tpu.memory_space<vmem>> -> memref<1x512xi32, #tpu.memory_space<vmem>>
      %dma_wait3A_412 = tpu.memref_squeeze %dma_wait3A_411 : memref<1x512xi32, #tpu.memory_space<vmem>> -> memref<512xi32, #tpu.memory_space<vmem>>
      %dma_wait3A_413 = arith.constant 0 : i32
      %dma_wait3A_414 = arith.constant 0 : i32
      %dma_wait3A_415 = tpu.memref_slice %arg3[%dma_wait3A_413, %dma_wait3A_414] : memref<125000x40xf32, #tpu.memory_space<hbm>> -> memref<125000x40xf32, #tpu.memory_space<hbm>>
      tpu.wait_indirect_dma semaphore(%arg9 : memref<!tpu.dma_semaphore, #tpu.memory_space<semaphore_mem>>) src(%dma_wait3A_415 : memref<125000x40xf32, #tpu.memory_space<hbm>>) dst(%dma_wait3A_409 : memref<512x40xf32, #tpu.memory_space<vmem>>)
      %mul3A_416 = arith.constant 4 : i32
      %mul3A_417 = arith.muli %mul3A_416, %scan3A_6 : i32
      %add3A_418 = arith.constant 1 : i32
      %add3A_419 = arith.addi %mul3A_417, %add3A_418 : i32
      %broadcast_in_dim3A_420 = arith.constant 1 : i32
      %broadcast_in_dim3A_421 = vector.broadcast %broadcast_in_dim3A_420 : i32 to vector<16xi32>
      %scan3A_422 = arith.constant 0 : i32
      %scan3A_423 = arith.constant 0 : i32
      %scan3A_424 = arith.constant 32 : i32
      %scan3A_425 = arith.addi %scan3A_423, %scan3A_424 : i32
      %scan3A_426 = arith.constant 1 : i32
      scf.for %scan3A_965 = %scan3A_423 to %scan3A_425 step %scan3A_426  : i32 {
        %mul3A_966 = arith.constant 16 : i32
        %mul3A_967 = arith.muli %scan3A_965, %mul3A_966 : i32
        %get3A = arith.constant 1 : i32
        %get3A_968 = arith.index_cast %get3A : i32 to index
        %get3A_969 = arith.index_cast %mul3A_967 : i32 to index
        %get3A_970 = tpu.vector_load %arg5[%get3A_968, %get3A_969] {strides = array<i32>} : memref<4x512xi32, #tpu.memory_space<vmem>>, vector<16xi32>,
        %and3A_971 = arith.constant 7 : i32
        %and3A_972 = vector.broadcast %and3A_971 : i32 to vector<16xi32>
        %and3A_973 = arith.andi %get3A_970, %and3A_972 : vector<16xi32>
        %mul3A_974 = arith.constant 5 : i32
        %mul3A_975 = vector.broadcast %mul3A_974 : i32 to vector<16xi32>
        %mul3A_976 = arith.muli %and3A_973, %mul3A_975 : vector<16xi32>
        %mul3A_977 = arith.constant 16 : i32
        %mul3A_978 = arith.muli %scan3A_965, %mul3A_977 : i32
        %add3A_979 = vector.broadcast %mul3A_978 : i32 to vector<16xi32>
        %add3A_980 = arith.addi %add3A_979, %iota3A : vector<16xi32>
        %add3A_981 = arith.constant 0 : i32
        %add3A_982 = vector.broadcast %add3A_981 : i32 to vector<16xi32>
        %add3A_983 = arith.addi %mul3A_976, %add3A_982 : vector<16xi32>
        %gather3A = tpu.vector_load_idx %arg7[%broadcast_in_dim3A_421, %add3A_980, %add3A_983] : memref<4x512x40xf32, #tpu.memory_space<vmem>>[vector<16xi32>, vector<16xi32>, vector<16xi32>], vector<16xf32>,
        %mul3A_984 = arith.constant 16 : i32
        %mul3A_985 = arith.muli %scan3A_965, %mul3A_984 : i32
        %swap3A = arith.constant 5 : i32
        %swap3A_986 = arith.index_cast %swap3A : i32 to index
        %swap3A_987 = arith.index_cast %mul3A_985 : i32 to index
        %swap3A_988 = tpu.vector_load %arg8[%swap3A_986, %swap3A_987] {strides = array<i32>} : memref<20x512xf32, #tpu.memory_space<vmem>>, vector<16xf32>,
        tpu.vector_store %arg8[%swap3A_986, %swap3A_987], %gather3A {strides = array<i32>} : memref<20x512xf32, #tpu.memory_space<vmem>>, vector<16xf32>,
        %add3A_989 = arith.constant 1 : i32
        %add3A_990 = vector.broadcast %add3A_989 : i32 to vector<16xi32>
        %add3A_991 = arith.addi %mul3A_976, %add3A_990 : vector<16xi32>
        %gather3A_992 = tpu.vector_load_idx %arg7[%broadcast_in_dim3A_421, %add3A_980, %add3A_991] : memref<4x512x40xf32, #tpu.memory_space<vmem>>[vector<16xi32>, vector<16xi32>, vector<16xi32>], vector<16xf32>,
        %mul3A_993 = arith.constant 16 : i32
        %mul3A_994 = arith.muli %scan3A_965, %mul3A_993 : i32
        %swap3A_995 = arith.constant 6 : i32
        %swap3A_996 = arith.index_cast %swap3A_995 : i32 to index
        %swap3A_997 = arith.index_cast %mul3A_994 : i32 to index
        %swap3A_998 = tpu.vector_load %arg8[%swap3A_996, %swap3A_997] {strides = array<i32>} : memref<20x512xf32, #tpu.memory_space<vmem>>, vector<16xf32>,
        tpu.vector_store %arg8[%swap3A_996, %swap3A_997], %gather3A_992 {strides = array<i32>} : memref<20x512xf32, #tpu.memory_space<vmem>>, vector<16xf32>,
        %add3A_999 = arith.constant 2 : i32
        %add3A_1000 = vector.broadcast %add3A_999 : i32 to vector<16xi32>
        %add3A_1001 = arith.addi %mul3A_976, %add3A_1000 : vector<16xi32>
        %gather3A_1002 = tpu.vector_load_idx %arg7[%broadcast_in_dim3A_421, %add3A_980, %add3A_1001] : memref<4x512x40xf32, #tpu.memory_space<vmem>>[vector<16xi32>, vector<16xi32>, vector<16xi32>], vector<16xf32>,
        %mul3A_1003 = arith.constant 16 : i32
        %mul3A_1004 = arith.muli %scan3A_965, %mul3A_1003 : i32
        %swap3A_1005 = arith.constant 7 : i32
        %swap3A_1006 = arith.index_cast %swap3A_1005 : i32 to index
        %swap3A_1007 = arith.index_cast %mul3A_1004 : i32 to index
        %swap3A_1008 = tpu.vector_load %arg8[%swap3A_1006, %swap3A_1007] {strides = array<i32>} : memref<20x512xf32, #tpu.memory_space<vmem>>, vector<16xf32>,
        tpu.vector_store %arg8[%swap3A_1006, %swap3A_1007], %gather3A_1002 {strides = array<i32>} : memref<20x512xf32, #tpu.memory_space<vmem>>, vector<16xf32>,
        %add3A_1009 = arith.constant 3 : i32
        %add3A_1010 = vector.broadcast %add3A_1009 : i32 to vector<16xi32>
        %add3A_1011 = arith.addi %mul3A_976, %add3A_1010 : vector<16xi32>
        %gather3A_1012 = tpu.vector_load_idx %arg7[%broadcast_in_dim3A_421, %add3A_980, %add3A_1011] : memref<4x512x40xf32, #tpu.memory_space<vmem>>[vector<16xi32>, vector<16xi32>, vector<16xi32>], vector<16xf32>,
        %mul3A_1013 = arith.constant 16 : i32
        %mul3A_1014 = arith.muli %scan3A_965, %mul3A_1013 : i32
        %swap3A_1015 = arith.constant 8 : i32
        %swap3A_1016 = arith.index_cast %swap3A_1015 : i32 to index
        %swap3A_1017 = arith.index_cast %mul3A_1014 : i32 to index
        %swap3A_1018 = tpu.vector_load %arg8[%swap3A_1016, %swap3A_1017] {strides = array<i32>} : memref<20x512xf32, #tpu.memory_space<vmem>>, vector<16xf32>,
        tpu.vector_store %arg8[%swap3A_1016, %swap3A_1017], %gather3A_1012 {strides = array<i32>} : memref<20x512xf32, #tpu.memory_space<vmem>>, vector<16xf32>,
        %add3A_1019 = arith.constant 4 : i32
        %add3A_1020 = vector.broadcast %add3A_1019 : i32 to vector<16xi32>
        %add3A_1021 = arith.addi %mul3A_976, %add3A_1020 : vector<16xi32>
        %gather3A_1022 = tpu.vector_load_idx %arg7[%broadcast_in_dim3A_421, %add3A_980, %add3A_1021] : memref<4x512x40xf32, #tpu.memory_space<vmem>>[vector<16xi32>, vector<16xi32>, vector<16xi32>], vector<16xf32>,
        %mul3A_1023 = arith.constant 16 : i32
        %mul3A_1024 = arith.muli %scan3A_965, %mul3A_1023 : i32
        %swap3A_1025 = arith.constant 9 : i32
        %swap3A_1026 = arith.index_cast %swap3A_1025 : i32 to index
        %swap3A_1027 = arith.index_cast %mul3A_1024 : i32 to index
        %swap3A_1028 = tpu.vector_load %arg8[%swap3A_1026, %swap3A_1027] {strides = array<i32>} : memref<20x512xf32, #tpu.memory_space<vmem>>, vector<16xf32>,
        tpu.vector_store %arg8[%swap3A_1026, %swap3A_1027], %gather3A_1022 {strides = array<i32>} : memref<20x512xf32, #tpu.memory_space<vmem>>, vector<16xf32>,
      }
      %scan3A_427 = arith.constant 32 : i32
      %jit3A_428 = arith.constant 8 : i32
      %div3A_429 = arith.divsi %add3A_419, %jit3A_428 : i32
      %sign3A_430 = arith.constant 0 : i32
      %sign3A_431 = arith.cmpi sgt, %add3A_419, %sign3A_430 : i32
      %sign3A_432 = arith.extui %sign3A_431 : i1 to i32
      %sign3A_433 = arith.constant 0 : i32
      %sign3A_434 = arith.cmpi slt, %add3A_419, %sign3A_433 : i32
      %sign3A_435 = arith.extui %sign3A_434 : i1 to i32
      %sign3A_436 = arith.subi %sign3A_432, %sign3A_435 : i32
      %sign3A_437 = arith.constant 0 : i32
      %sign3A_438 = arith.cmpi sgt, %jit3A_428, %sign3A_437 : i32
      %sign3A_439 = arith.extui %sign3A_438 : i1 to i32
      %sign3A_440 = arith.constant 0 : i32
      %sign3A_441 = arith.cmpi slt, %jit3A_428, %sign3A_440 : i32
      %sign3A_442 = arith.extui %sign3A_441 : i1 to i32
      %sign3A_443 = arith.subi %sign3A_439, %sign3A_442 : i32
      %ne3A_444 = arith.cmpi ne, %sign3A_436, %sign3A_443 : i32
      %rem3A_445 = arith.remsi %add3A_419, %jit3A_428 : i32
      %ne3A_446 = arith.constant 0 : i32
      %ne3A_447 = arith.cmpi ne, %rem3A_445, %ne3A_446 : i32
      %and3A_448 = arith.andi %ne3A_444, %ne3A_447 : i1
      %sub3A_449 = arith.constant 1 : i32
      %sub3A_450 = arith.subi %div3A_429, %sub3A_449 : i32
      %select_n3A_451 = arith.select %and3A_448, %sub3A_450, %div3A_429 : i32
      %jit3A_452 = arith.constant 8 : i32
      %eq3A_453 = arith.constant 0 : i32
      %eq3A_454 = arith.cmpi eq, %jit3A_452, %eq3A_453 : i32
      %jit3A_455 = arith.constant 1 : i32
      %select_n3A_456 = arith.select %eq3A_454, %jit3A_455, %jit3A_452 : i32
      %rem3A_457 = arith.remsi %add3A_419, %select_n3A_456 : i32
      %ne3A_458 = arith.constant 0 : i32
      %ne3A_459 = arith.cmpi ne, %rem3A_457, %ne3A_458 : i32
      %lt3A_460 = arith.constant 0 : i32
      %lt3A_461 = arith.cmpi slt, %rem3A_457, %lt3A_460 : i32
      %lt3A_462 = arith.constant 0 : i32
      %lt3A_463 = arith.cmpi slt, %select_n3A_456, %lt3A_462 : i32
      %ne3A_464 = arith.xori %lt3A_461, %lt3A_463 : i1
      %and3A_465 = arith.andi %ne3A_464, %ne3A_459 : i1
      %add3A_466 = arith.addi %rem3A_457, %select_n3A_456 : i32
      %select_n3A_467 = arith.select %and3A_465, %add3A_466, %rem3A_457 : i32
      %mul3A_468 = arith.constant 131072 : i32
      %mul3A_469 = arith.muli %select_n3A_451, %mul3A_468 : i32
      %mul3A_470 = arith.constant 8 : i32
      %mul3A_471 = arith.muli %add3A, %mul3A_470 : i32
      %add3A_472 = arith.addi %mul3A_471, %select_n3A_467 : i32
      %mul3A_473 = arith.constant 512 : i32
      %mul3A_474 = arith.muli %add3A_472, %mul3A_473 : i32
      %add3A_475 = arith.addi %mul3A_469, %mul3A_474 : i32
      %add3A_476 = arith.constant 0 : i32
      %add3A_477 = arith.addi %add3A_476, %add3A_475 : i32
      %dma_start3A_478 = arith.constant 5 : i32
      %dma_start3A_479 = arith.constant 0 : i32
      %dma_start3A_480 = tpu.memref_slice %arg8[%dma_start3A_478, %dma_start3A_479] : memref<20x512xf32, #tpu.memory_space<vmem>> -> memref<1x512xf32, #tpu.memory_space<vmem>>
      %dma_start3A_481 = tpu.memref_squeeze %dma_start3A_480 : memref<1x512xf32, #tpu.memory_space<vmem>> -> memref<512xf32, #tpu.memory_space<vmem>>
      %dma_start3A_482 = tpu.memref_slice %arg4[%add3A_477] : memref<16384000xf32, #tpu.memory_space<hbm>> -> memref<512xf32, #tpu.memory_space<hbm>>
      %dma_start3A_483 = tpu.memref_slice %arg4[%add3A_477] : memref<16384000xf32, #tpu.memory_space<hbm>> -> memref<512xf32, #tpu.memory_space<hbm>>
      %dma_start3A_484 = arith.constant 0 : i32
      %dma_start3A_485 = tpu.memref_slice %arg8[%dma_start3A_478, %dma_start3A_484] : memref<20x512xf32, #tpu.memory_space<vmem>> -> memref<1x512xf32, #tpu.memory_space<vmem>>
      %dma_start3A_486 = tpu.memref_squeeze %dma_start3A_485 : memref<1x512xf32, #tpu.memory_space<vmem>> -> memref<512xf32, #tpu.memory_space<vmem>>
      tpu.enqueue_dma source(%dma_start3A_486 : memref<512xf32, #tpu.memory_space<vmem>>) target(%dma_start3A_483 : memref<512xf32, #tpu.memory_space<hbm>>) target_semaphore(%arg10 : memref<!tpu.dma_semaphore, #tpu.memory_space<semaphore_mem>>)
      %add3A_487 = arith.constant 3276800 : i32
      %add3A_488 = arith.addi %add3A_487, %add3A_475 : i32
      %dma_start3A_489 = arith.constant 6 : i32
      %dma_start3A_490 = arith.constant 0 : i32
      %dma_start3A_491 = tpu.memref_slice %arg8[%dma_start3A_489, %dma_start3A_490] : memref<20x512xf32, #tpu.memory_space<vmem>> -> memref<1x512xf32, #tpu.memory_space<vmem>>
      %dma_start3A_492 = tpu.memref_squeeze %dma_start3A_491 : memref<1x512xf32, #tpu.memory_space<vmem>> -> memref<512xf32, #tpu.memory_space<vmem>>
      %dma_start3A_493 = tpu.memref_slice %arg4[%add3A_488] : memref<16384000xf32, #tpu.memory_space<hbm>> -> memref<512xf32, #tpu.memory_space<hbm>>
      %dma_start3A_494 = tpu.memref_slice %arg4[%add3A_488] : memref<16384000xf32, #tpu.memory_space<hbm>> -> memref<512xf32, #tpu.memory_space<hbm>>
      %dma_start3A_495 = arith.constant 0 : i32
      %dma_start3A_496 = tpu.memref_slice %arg8[%dma_start3A_489, %dma_start3A_495] : memref<20x512xf32, #tpu.memory_space<vmem>> -> memref<1x512xf32, #tpu.memory_space<vmem>>
      %dma_start3A_497 = tpu.memref_squeeze %dma_start3A_496 : memref<1x512xf32, #tpu.memory_space<vmem>> -> memref<512xf32, #tpu.memory_space<vmem>>
      tpu.enqueue_dma source(%dma_start3A_497 : memref<512xf32, #tpu.memory_space<vmem>>) target(%dma_start3A_494 : memref<512xf32, #tpu.memory_space<hbm>>) target_semaphore(%arg10 : memref<!tpu.dma_semaphore, #tpu.memory_space<semaphore_mem>>)
      %add3A_498 = arith.constant 6553600 : i32
      %add3A_499 = arith.addi %add3A_498, %add3A_475 : i32
      %dma_start3A_500 = arith.constant 7 : i32
      %dma_start3A_501 = arith.constant 0 : i32
      %dma_start3A_502 = tpu.memref_slice %arg8[%dma_start3A_500, %dma_start3A_501] : memref<20x512xf32, #tpu.memory_space<vmem>> -> memref<1x512xf32, #tpu.memory_space<vmem>>
      %dma_start3A_503 = tpu.memref_squeeze %dma_start3A_502 : memref<1x512xf32, #tpu.memory_space<vmem>> -> memref<512xf32, #tpu.memory_space<vmem>>
      %dma_start3A_504 = tpu.memref_slice %arg4[%add3A_499] : memref<16384000xf32, #tpu.memory_space<hbm>> -> memref<512xf32, #tpu.memory_space<hbm>>
      %dma_start3A_505 = tpu.memref_slice %arg4[%add3A_499] : memref<16384000xf32, #tpu.memory_space<hbm>> -> memref<512xf32, #tpu.memory_space<hbm>>
      %dma_start3A_506 = arith.constant 0 : i32
      %dma_start3A_507 = tpu.memref_slice %arg8[%dma_start3A_500, %dma_start3A_506] : memref<20x512xf32, #tpu.memory_space<vmem>> -> memref<1x512xf32, #tpu.memory_space<vmem>>
      %dma_start3A_508 = tpu.memref_squeeze %dma_start3A_507 : memref<1x512xf32, #tpu.memory_space<vmem>> -> memref<512xf32, #tpu.memory_space<vmem>>
      tpu.enqueue_dma source(%dma_start3A_508 : memref<512xf32, #tpu.memory_space<vmem>>) target(%dma_start3A_505 : memref<512xf32, #tpu.memory_space<hbm>>) target_semaphore(%arg10 : memref<!tpu.dma_semaphore, #tpu.memory_space<semaphore_mem>>)
      %add3A_509 = arith.constant 9830400 : i32
      %add3A_510 = arith.addi %add3A_509, %add3A_475 : i32
      %dma_start3A_511 = arith.constant 8 : i32
      %dma_start3A_512 = arith.constant 0 : i32
      %dma_start3A_513 = tpu.memref_slice %arg8[%dma_start3A_511, %dma_start3A_512] : memref<20x512xf32, #tpu.memory_space<vmem>> -> memref<1x512xf32, #tpu.memory_space<vmem>>
      %dma_start3A_514 = tpu.memref_squeeze %dma_start3A_513 : memref<1x512xf32, #tpu.memory_space<vmem>> -> memref<512xf32, #tpu.memory_space<vmem>>
      %dma_start3A_515 = tpu.memref_slice %arg4[%add3A_510] : memref<16384000xf32, #tpu.memory_space<hbm>> -> memref<512xf32, #tpu.memory_space<hbm>>
      %dma_start3A_516 = tpu.memref_slice %arg4[%add3A_510] : memref<16384000xf32, #tpu.memory_space<hbm>> -> memref<512xf32, #tpu.memory_space<hbm>>
      %dma_start3A_517 = arith.constant 0 : i32
      %dma_start3A_518 = tpu.memref_slice %arg8[%dma_start3A_511, %dma_start3A_517] : memref<20x512xf32, #tpu.memory_space<vmem>> -> memref<1x512xf32, #tpu.memory_space<vmem>>
      %dma_start3A_519 = tpu.memref_squeeze %dma_start3A_518 : memref<1x512xf32, #tpu.memory_space<vmem>> -> memref<512xf32, #tpu.memory_space<vmem>>
      tpu.enqueue_dma source(%dma_start3A_519 : memref<512xf32, #tpu.memory_space<vmem>>) target(%dma_start3A_516 : memref<512xf32, #tpu.memory_space<hbm>>) target_semaphore(%arg10 : memref<!tpu.dma_semaphore, #tpu.memory_space<semaphore_mem>>)
      %add3A_520 = arith.constant 13107200 : i32
      %add3A_521 = arith.addi %add3A_520, %add3A_475 : i32
      %dma_start3A_522 = arith.constant 9 : i32
      %dma_start3A_523 = arith.constant 0 : i32
      %dma_start3A_524 = tpu.memref_slice %arg8[%dma_start3A_522, %dma_start3A_523] : memref<20x512xf32, #tpu.memory_space<vmem>> -> memref<1x512xf32, #tpu.memory_space<vmem>>
      %dma_start3A_525 = tpu.memref_squeeze %dma_start3A_524 : memref<1x512xf32, #tpu.memory_space<vmem>> -> memref<512xf32, #tpu.memory_space<vmem>>
      %dma_start3A_526 = tpu.memref_slice %arg4[%add3A_521] : memref<16384000xf32, #tpu.memory_space<hbm>> -> memref<512xf32, #tpu.memory_space<hbm>>
      %dma_start3A_527 = tpu.memref_slice %arg4[%add3A_521] : memref<16384000xf32, #tpu.memory_space<hbm>> -> memref<512xf32, #tpu.memory_space<hbm>>
      %dma_start3A_528 = arith.constant 0 : i32
      %dma_start3A_529 = tpu.memref_slice %arg8[%dma_start3A_522, %dma_start3A_528] : memref<20x512xf32, #tpu.memory_space<vmem>> -> memref<1x512xf32, #tpu.memory_space<vmem>>
      %dma_start3A_530 = tpu.memref_squeeze %dma_start3A_529 : memref<1x512xf32, #tpu.memory_space<vmem>> -> memref<512xf32, #tpu.memory_space<vmem>>
      tpu.enqueue_dma source(%dma_start3A_530 : memref<512xf32, #tpu.memory_space<vmem>>) target(%dma_start3A_527 : memref<512xf32, #tpu.memory_space<hbm>>) target_semaphore(%arg10 : memref<!tpu.dma_semaphore, #tpu.memory_space<semaphore_mem>>)
      %dma_wait3A_531 = arith.constant 2 : i32
      %dma_wait3A_532 = arith.constant 2 : i32
      %dma_wait3A_533 = arith.constant 0 : i32
      %dma_wait3A_534 = arith.constant 0 : i32
      %dma_wait3A_535 = tpu.memref_slice %arg7[%dma_wait3A_532, %dma_wait3A_533, %dma_wait3A_534] : memref<4x512x40xf32, #tpu.memory_space<vmem>> -> memref<1x512x40xf32, #tpu.memory_space<vmem>>
      %dma_wait3A_536 = tpu.memref_squeeze %dma_wait3A_535 : memref<1x512x40xf32, #tpu.memory_space<vmem>> -> memref<512x40xf32, #tpu.memory_space<vmem>>
      %dma_wait3A_537 = arith.constant 0 : i32
      %dma_wait3A_538 = tpu.memref_slice %arg6[%dma_wait3A_531, %dma_wait3A_537] : memref<4x512xi32, #tpu.memory_space<vmem>> -> memref<1x512xi32, #tpu.memory_space<vmem>>
      %dma_wait3A_539 = tpu.memref_squeeze %dma_wait3A_538 : memref<1x512xi32, #tpu.memory_space<vmem>> -> memref<512xi32, #tpu.memory_space<vmem>>
      %dma_wait3A_540 = arith.constant 0 : i32
      %dma_wait3A_541 = arith.constant 0 : i32
      %dma_wait3A_542 = tpu.memref_slice %arg3[%dma_wait3A_540, %dma_wait3A_541] : memref<125000x40xf32, #tpu.memory_space<hbm>> -> memref<125000x40xf32, #tpu.memory_space<hbm>>
      tpu.wait_indirect_dma semaphore(%arg9 : memref<!tpu.dma_semaphore, #tpu.memory_space<semaphore_mem>>) src(%dma_wait3A_542 : memref<125000x40xf32, #tpu.memory_space<hbm>>) dst(%dma_wait3A_536 : memref<512x40xf32, #tpu.memory_space<vmem>>)
      %mul3A_543 = arith.constant 4 : i32
      %mul3A_544 = arith.muli %mul3A_543, %scan3A_6 : i32
      %add3A_545 = arith.constant 2 : i32
      %add3A_546 = arith.addi %mul3A_544, %add3A_545 : i32
      %broadcast_in_dim3A_547 = arith.constant 2 : i32
      %broadcast_in_dim3A_548 = vector.broadcast %broadcast_in_dim3A_547 : i32 to vector<16xi32>
      %scan3A_549 = arith.constant 0 : i32
      %scan3A_550 = arith.constant 0 : i32
      %scan3A_551 = arith.constant 32 : i32
      %scan3A_552 = arith.addi %scan3A_550, %scan3A_551 : i32
      %scan3A_553 = arith.constant 1 : i32
      scf.for %scan3A_965 = %scan3A_550 to %scan3A_552 step %scan3A_553  : i32 {
        %mul3A_966 = arith.constant 16 : i32
        %mul3A_967 = arith.muli %scan3A_965, %mul3A_966 : i32
        %get3A = arith.constant 2 : i32
        %get3A_968 = arith.index_cast %get3A : i32 to index
        %get3A_969 = arith.index_cast %mul3A_967 : i32 to index
        %get3A_970 = tpu.vector_load %arg5[%get3A_968, %get3A_969] {strides = array<i32>} : memref<4x512xi32, #tpu.memory_space<vmem>>, vector<16xi32>,
        %and3A_971 = arith.constant 7 : i32
        %and3A_972 = vector.broadcast %and3A_971 : i32 to vector<16xi32>
        %and3A_973 = arith.andi %get3A_970, %and3A_972 : vector<16xi32>
        %mul3A_974 = arith.constant 5 : i32
        %mul3A_975 = vector.broadcast %mul3A_974 : i32 to vector<16xi32>
        %mul3A_976 = arith.muli %and3A_973, %mul3A_975 : vector<16xi32>
        %mul3A_977 = arith.constant 16 : i32
        %mul3A_978 = arith.muli %scan3A_965, %mul3A_977 : i32
        %add3A_979 = vector.broadcast %mul3A_978 : i32 to vector<16xi32>
        %add3A_980 = arith.addi %add3A_979, %iota3A : vector<16xi32>
        %add3A_981 = arith.constant 0 : i32
        %add3A_982 = vector.broadcast %add3A_981 : i32 to vector<16xi32>
        %add3A_983 = arith.addi %mul3A_976, %add3A_982 : vector<16xi32>
        %gather3A = tpu.vector_load_idx %arg7[%broadcast_in_dim3A_548, %add3A_980, %add3A_983] : memref<4x512x40xf32, #tpu.memory_space<vmem>>[vector<16xi32>, vector<16xi32>, vector<16xi32>], vector<16xf32>,
        %mul3A_984 = arith.constant 16 : i32
        %mul3A_985 = arith.muli %scan3A_965, %mul3A_984 : i32
        %swap3A = arith.constant 10 : i32
        %swap3A_986 = arith.index_cast %swap3A : i32 to index
        %swap3A_987 = arith.index_cast %mul3A_985 : i32 to index
        %swap3A_988 = tpu.vector_load %arg8[%swap3A_986, %swap3A_987] {strides = array<i32>} : memref<20x512xf32, #tpu.memory_space<vmem>>, vector<16xf32>,
        tpu.vector_store %arg8[%swap3A_986, %swap3A_987], %gather3A {strides = array<i32>} : memref<20x512xf32, #tpu.memory_space<vmem>>, vector<16xf32>,
        %add3A_989 = arith.constant 1 : i32
        %add3A_990 = vector.broadcast %add3A_989 : i32 to vector<16xi32>
        %add3A_991 = arith.addi %mul3A_976, %add3A_990 : vector<16xi32>
        %gather3A_992 = tpu.vector_load_idx %arg7[%broadcast_in_dim3A_548, %add3A_980, %add3A_991] : memref<4x512x40xf32, #tpu.memory_space<vmem>>[vector<16xi32>, vector<16xi32>, vector<16xi32>], vector<16xf32>,
        %mul3A_993 = arith.constant 16 : i32
        %mul3A_994 = arith.muli %scan3A_965, %mul3A_993 : i32
        %swap3A_995 = arith.constant 11 : i32
        %swap3A_996 = arith.index_cast %swap3A_995 : i32 to index
        %swap3A_997 = arith.index_cast %mul3A_994 : i32 to index
        %swap3A_998 = tpu.vector_load %arg8[%swap3A_996, %swap3A_997] {strides = array<i32>} : memref<20x512xf32, #tpu.memory_space<vmem>>, vector<16xf32>,
        tpu.vector_store %arg8[%swap3A_996, %swap3A_997], %gather3A_992 {strides = array<i32>} : memref<20x512xf32, #tpu.memory_space<vmem>>, vector<16xf32>,
        %add3A_999 = arith.constant 2 : i32
        %add3A_1000 = vector.broadcast %add3A_999 : i32 to vector<16xi32>
        %add3A_1001 = arith.addi %mul3A_976, %add3A_1000 : vector<16xi32>
        %gather3A_1002 = tpu.vector_load_idx %arg7[%broadcast_in_dim3A_548, %add3A_980, %add3A_1001] : memref<4x512x40xf32, #tpu.memory_space<vmem>>[vector<16xi32>, vector<16xi32>, vector<16xi32>], vector<16xf32>,
        %mul3A_1003 = arith.constant 16 : i32
        %mul3A_1004 = arith.muli %scan3A_965, %mul3A_1003 : i32
        %swap3A_1005 = arith.constant 12 : i32
        %swap3A_1006 = arith.index_cast %swap3A_1005 : i32 to index
        %swap3A_1007 = arith.index_cast %mul3A_1004 : i32 to index
        %swap3A_1008 = tpu.vector_load %arg8[%swap3A_1006, %swap3A_1007] {strides = array<i32>} : memref<20x512xf32, #tpu.memory_space<vmem>>, vector<16xf32>,
        tpu.vector_store %arg8[%swap3A_1006, %swap3A_1007], %gather3A_1002 {strides = array<i32>} : memref<20x512xf32, #tpu.memory_space<vmem>>, vector<16xf32>,
        %add3A_1009 = arith.constant 3 : i32
        %add3A_1010 = vector.broadcast %add3A_1009 : i32 to vector<16xi32>
        %add3A_1011 = arith.addi %mul3A_976, %add3A_1010 : vector<16xi32>
        %gather3A_1012 = tpu.vector_load_idx %arg7[%broadcast_in_dim3A_548, %add3A_980, %add3A_1011] : memref<4x512x40xf32, #tpu.memory_space<vmem>>[vector<16xi32>, vector<16xi32>, vector<16xi32>], vector<16xf32>,
        %mul3A_1013 = arith.constant 16 : i32
        %mul3A_1014 = arith.muli %scan3A_965, %mul3A_1013 : i32
        %swap3A_1015 = arith.constant 13 : i32
        %swap3A_1016 = arith.index_cast %swap3A_1015 : i32 to index
        %swap3A_1017 = arith.index_cast %mul3A_1014 : i32 to index
        %swap3A_1018 = tpu.vector_load %arg8[%swap3A_1016, %swap3A_1017] {strides = array<i32>} : memref<20x512xf32, #tpu.memory_space<vmem>>, vector<16xf32>,
        tpu.vector_store %arg8[%swap3A_1016, %swap3A_1017], %gather3A_1012 {strides = array<i32>} : memref<20x512xf32, #tpu.memory_space<vmem>>, vector<16xf32>,
        %add3A_1019 = arith.constant 4 : i32
        %add3A_1020 = vector.broadcast %add3A_1019 : i32 to vector<16xi32>
        %add3A_1021 = arith.addi %mul3A_976, %add3A_1020 : vector<16xi32>
        %gather3A_1022 = tpu.vector_load_idx %arg7[%broadcast_in_dim3A_548, %add3A_980, %add3A_1021] : memref<4x512x40xf32, #tpu.memory_space<vmem>>[vector<16xi32>, vector<16xi32>, vector<16xi32>], vector<16xf32>,
        %mul3A_1023 = arith.constant 16 : i32
        %mul3A_1024 = arith.muli %scan3A_965, %mul3A_1023 : i32
        %swap3A_1025 = arith.constant 14 : i32
        %swap3A_1026 = arith.index_cast %swap3A_1025 : i32 to index
        %swap3A_1027 = arith.index_cast %mul3A_1024 : i32 to index
        %swap3A_1028 = tpu.vector_load %arg8[%swap3A_1026, %swap3A_1027] {strides = array<i32>} : memref<20x512xf32, #tpu.memory_space<vmem>>, vector<16xf32>,
        tpu.vector_store %arg8[%swap3A_1026, %swap3A_1027], %gather3A_1022 {strides = array<i32>} : memref<20x512xf32, #tpu.memory_space<vmem>>, vector<16xf32>,
      }
      %scan3A_554 = arith.constant 32 : i32
      %jit3A_555 = arith.constant 8 : i32
      %div3A_556 = arith.divsi %add3A_546, %jit3A_555 : i32
      %sign3A_557 = arith.constant 0 : i32
      %sign3A_558 = arith.cmpi sgt, %add3A_546, %sign3A_557 : i32
      %sign3A_559 = arith.extui %sign3A_558 : i1 to i32
      %sign3A_560 = arith.constant 0 : i32
      %sign3A_561 = arith.cmpi slt, %add3A_546, %sign3A_560 : i32
      %sign3A_562 = arith.extui %sign3A_561 : i1 to i32
      %sign3A_563 = arith.subi %sign3A_559, %sign3A_562 : i32
      %sign3A_564 = arith.constant 0 : i32
      %sign3A_565 = arith.cmpi sgt, %jit3A_555, %sign3A_564 : i32
      %sign3A_566 = arith.extui %sign3A_565 : i1 to i32
      %sign3A_567 = arith.constant 0 : i32
      %sign3A_568 = arith.cmpi slt, %jit3A_555, %sign3A_567 : i32
      %sign3A_569 = arith.extui %sign3A_568 : i1 to i32
      %sign3A_570 = arith.subi %sign3A_566, %sign3A_569 : i32
      %ne3A_571 = arith.cmpi ne, %sign3A_563, %sign3A_570 : i32
      %rem3A_572 = arith.remsi %add3A_546, %jit3A_555 : i32
      %ne3A_573 = arith.constant 0 : i32
      %ne3A_574 = arith.cmpi ne, %rem3A_572, %ne3A_573 : i32
      %and3A_575 = arith.andi %ne3A_571, %ne3A_574 : i1
      %sub3A_576 = arith.constant 1 : i32
      %sub3A_577 = arith.subi %div3A_556, %sub3A_576 : i32
      %select_n3A_578 = arith.select %and3A_575, %sub3A_577, %div3A_556 : i32
      %jit3A_579 = arith.constant 8 : i32
      %eq3A_580 = arith.constant 0 : i32
      %eq3A_581 = arith.cmpi eq, %jit3A_579, %eq3A_580 : i32
      %jit3A_582 = arith.constant 1 : i32
      %select_n3A_583 = arith.select %eq3A_581, %jit3A_582, %jit3A_579 : i32
      %rem3A_584 = arith.remsi %add3A_546, %select_n3A_583 : i32
      %ne3A_585 = arith.constant 0 : i32
      %ne3A_586 = arith.cmpi ne, %rem3A_584, %ne3A_585 : i32
      %lt3A_587 = arith.constant 0 : i32
      %lt3A_588 = arith.cmpi slt, %rem3A_584, %lt3A_587 : i32
      %lt3A_589 = arith.constant 0 : i32
      %lt3A_590 = arith.cmpi slt, %select_n3A_583, %lt3A_589 : i32
      %ne3A_591 = arith.xori %lt3A_588, %lt3A_590 : i1
      %and3A_592 = arith.andi %ne3A_591, %ne3A_586 : i1
      %add3A_593 = arith.addi %rem3A_584, %select_n3A_583 : i32
      %select_n3A_594 = arith.select %and3A_592, %add3A_593, %rem3A_584 : i32
      %mul3A_595 = arith.constant 131072 : i32
      %mul3A_596 = arith.muli %select_n3A_578, %mul3A_595 : i32
      %mul3A_597 = arith.constant 8 : i32
      %mul3A_598 = arith.muli %add3A, %mul3A_597 : i32
      %add3A_599 = arith.addi %mul3A_598, %select_n3A_594 : i32
      %mul3A_600 = arith.constant 512 : i32
      %mul3A_601 = arith.muli %add3A_599, %mul3A_600 : i32
      %add3A_602 = arith.addi %mul3A_596, %mul3A_601 : i32
      %add3A_603 = arith.constant 0 : i32
      %add3A_604 = arith.addi %add3A_603, %add3A_602 : i32
      %dma_start3A_605 = arith.constant 10 : i32
      %dma_start3A_606 = arith.constant 0 : i32
      %dma_start3A_607 = tpu.memref_slice %arg8[%dma_start3A_605, %dma_start3A_606] : memref<20x512xf32, #tpu.memory_space<vmem>> -> memref<1x512xf32, #tpu.memory_space<vmem>>
      %dma_start3A_608 = tpu.memref_squeeze %dma_start3A_607 : memref<1x512xf32, #tpu.memory_space<vmem>> -> memref<512xf32, #tpu.memory_space<vmem>>
      %dma_start3A_609 = tpu.memref_slice %arg4[%add3A_604] : memref<16384000xf32, #tpu.memory_space<hbm>> -> memref<512xf32, #tpu.memory_space<hbm>>
      %dma_start3A_610 = tpu.memref_slice %arg4[%add3A_604] : memref<16384000xf32, #tpu.memory_space<hbm>> -> memref<512xf32, #tpu.memory_space<hbm>>
      %dma_start3A_611 = arith.constant 0 : i32
      %dma_start3A_612 = tpu.memref_slice %arg8[%dma_start3A_605, %dma_start3A_611] : memref<20x512xf32, #tpu.memory_space<vmem>> -> memref<1x512xf32, #tpu.memory_space<vmem>>
      %dma_start3A_613 = tpu.memref_squeeze %dma_start3A_612 : memref<1x512xf32, #tpu.memory_space<vmem>> -> memref<512xf32, #tpu.memory_space<vmem>>
      tpu.enqueue_dma source(%dma_start3A_613 : memref<512xf32, #tpu.memory_space<vmem>>) target(%dma_start3A_610 : memref<512xf32, #tpu.memory_space<hbm>>) target_semaphore(%arg10 : memref<!tpu.dma_semaphore, #tpu.memory_space<semaphore_mem>>)
      %add3A_614 = arith.constant 3276800 : i32
      %add3A_615 = arith.addi %add3A_614, %add3A_602 : i32
      %dma_start3A_616 = arith.constant 11 : i32
      %dma_start3A_617 = arith.constant 0 : i32
      %dma_start3A_618 = tpu.memref_slice %arg8[%dma_start3A_616, %dma_start3A_617] : memref<20x512xf32, #tpu.memory_space<vmem>> -> memref<1x512xf32, #tpu.memory_space<vmem>>
      %dma_start3A_619 = tpu.memref_squeeze %dma_start3A_618 : memref<1x512xf32, #tpu.memory_space<vmem>> -> memref<512xf32, #tpu.memory_space<vmem>>
      %dma_start3A_620 = tpu.memref_slice %arg4[%add3A_615] : memref<16384000xf32, #tpu.memory_space<hbm>> -> memref<512xf32, #tpu.memory_space<hbm>>
      %dma_start3A_621 = tpu.memref_slice %arg4[%add3A_615] : memref<16384000xf32, #tpu.memory_space<hbm>> -> memref<512xf32, #tpu.memory_space<hbm>>
      %dma_start3A_622 = arith.constant 0 : i32
      %dma_start3A_623 = tpu.memref_slice %arg8[%dma_start3A_616, %dma_start3A_622] : memref<20x512xf32, #tpu.memory_space<vmem>> -> memref<1x512xf32, #tpu.memory_space<vmem>>
      %dma_start3A_624 = tpu.memref_squeeze %dma_start3A_623 : memref<1x512xf32, #tpu.memory_space<vmem>> -> memref<512xf32, #tpu.memory_space<vmem>>
      tpu.enqueue_dma source(%dma_start3A_624 : memref<512xf32, #tpu.memory_space<vmem>>) target(%dma_start3A_621 : memref<512xf32, #tpu.memory_space<hbm>>) target_semaphore(%arg10 : memref<!tpu.dma_semaphore, #tpu.memory_space<semaphore_mem>>)
      %add3A_625 = arith.constant 6553600 : i32
      %add3A_626 = arith.addi %add3A_625, %add3A_602 : i32
      %dma_start3A_627 = arith.constant 12 : i32
      %dma_start3A_628 = arith.constant 0 : i32
      %dma_start3A_629 = tpu.memref_slice %arg8[%dma_start3A_627, %dma_start3A_628] : memref<20x512xf32, #tpu.memory_space<vmem>> -> memref<1x512xf32, #tpu.memory_space<vmem>>
      %dma_start3A_630 = tpu.memref_squeeze %dma_start3A_629 : memref<1x512xf32, #tpu.memory_space<vmem>> -> memref<512xf32, #tpu.memory_space<vmem>>
      %dma_start3A_631 = tpu.memref_slice %arg4[%add3A_626] : memref<16384000xf32, #tpu.memory_space<hbm>> -> memref<512xf32, #tpu.memory_space<hbm>>
      %dma_start3A_632 = tpu.memref_slice %arg4[%add3A_626] : memref<16384000xf32, #tpu.memory_space<hbm>> -> memref<512xf32, #tpu.memory_space<hbm>>
      %dma_start3A_633 = arith.constant 0 : i32
      %dma_start3A_634 = tpu.memref_slice %arg8[%dma_start3A_627, %dma_start3A_633] : memref<20x512xf32, #tpu.memory_space<vmem>> -> memref<1x512xf32, #tpu.memory_space<vmem>>
      %dma_start3A_635 = tpu.memref_squeeze %dma_start3A_634 : memref<1x512xf32, #tpu.memory_space<vmem>> -> memref<512xf32, #tpu.memory_space<vmem>>
      tpu.enqueue_dma source(%dma_start3A_635 : memref<512xf32, #tpu.memory_space<vmem>>) target(%dma_start3A_632 : memref<512xf32, #tpu.memory_space<hbm>>) target_semaphore(%arg10 : memref<!tpu.dma_semaphore, #tpu.memory_space<semaphore_mem>>)
      %add3A_636 = arith.constant 9830400 : i32
      %add3A_637 = arith.addi %add3A_636, %add3A_602 : i32
      %dma_start3A_638 = arith.constant 13 : i32
      %dma_start3A_639 = arith.constant 0 : i32
      %dma_start3A_640 = tpu.memref_slice %arg8[%dma_start3A_638, %dma_start3A_639] : memref<20x512xf32, #tpu.memory_space<vmem>> -> memref<1x512xf32, #tpu.memory_space<vmem>>
      %dma_start3A_641 = tpu.memref_squeeze %dma_start3A_640 : memref<1x512xf32, #tpu.memory_space<vmem>> -> memref<512xf32, #tpu.memory_space<vmem>>
      %dma_start3A_642 = tpu.memref_slice %arg4[%add3A_637] : memref<16384000xf32, #tpu.memory_space<hbm>> -> memref<512xf32, #tpu.memory_space<hbm>>
      %dma_start3A_643 = tpu.memref_slice %arg4[%add3A_637] : memref<16384000xf32, #tpu.memory_space<hbm>> -> memref<512xf32, #tpu.memory_space<hbm>>
      %dma_start3A_644 = arith.constant 0 : i32
      %dma_start3A_645 = tpu.memref_slice %arg8[%dma_start3A_638, %dma_start3A_644] : memref<20x512xf32, #tpu.memory_space<vmem>> -> memref<1x512xf32, #tpu.memory_space<vmem>>
      %dma_start3A_646 = tpu.memref_squeeze %dma_start3A_645 : memref<1x512xf32, #tpu.memory_space<vmem>> -> memref<512xf32, #tpu.memory_space<vmem>>
      tpu.enqueue_dma source(%dma_start3A_646 : memref<512xf32, #tpu.memory_space<vmem>>) target(%dma_start3A_643 : memref<512xf32, #tpu.memory_space<hbm>>) target_semaphore(%arg10 : memref<!tpu.dma_semaphore, #tpu.memory_space<semaphore_mem>>)
      %add3A_647 = arith.constant 13107200 : i32
      %add3A_648 = arith.addi %add3A_647, %add3A_602 : i32
      %dma_start3A_649 = arith.constant 14 : i32
      %dma_start3A_650 = arith.constant 0 : i32
      %dma_start3A_651 = tpu.memref_slice %arg8[%dma_start3A_649, %dma_start3A_650] : memref<20x512xf32, #tpu.memory_space<vmem>> -> memref<1x512xf32, #tpu.memory_space<vmem>>
      %dma_start3A_652 = tpu.memref_squeeze %dma_start3A_651 : memref<1x512xf32, #tpu.memory_space<vmem>> -> memref<512xf32, #tpu.memory_space<vmem>>
      %dma_start3A_653 = tpu.memref_slice %arg4[%add3A_648] : memref<16384000xf32, #tpu.memory_space<hbm>> -> memref<512xf32, #tpu.memory_space<hbm>>
      %dma_start3A_654 = tpu.memref_slice %arg4[%add3A_648] : memref<16384000xf32, #tpu.memory_space<hbm>> -> memref<512xf32, #tpu.memory_space<hbm>>
      %dma_start3A_655 = arith.constant 0 : i32
      %dma_start3A_656 = tpu.memref_slice %arg8[%dma_start3A_649, %dma_start3A_655] : memref<20x512xf32, #tpu.memory_space<vmem>> -> memref<1x512xf32, #tpu.memory_space<vmem>>
      %dma_start3A_657 = tpu.memref_squeeze %dma_start3A_656 : memref<1x512xf32, #tpu.memory_space<vmem>> -> memref<512xf32, #tpu.memory_space<vmem>>
      tpu.enqueue_dma source(%dma_start3A_657 : memref<512xf32, #tpu.memory_space<vmem>>) target(%dma_start3A_654 : memref<512xf32, #tpu.memory_space<hbm>>) target_semaphore(%arg10 : memref<!tpu.dma_semaphore, #tpu.memory_space<semaphore_mem>>)
      %dma_wait3A_658 = arith.constant 3 : i32
      %dma_wait3A_659 = arith.constant 3 : i32
      %dma_wait3A_660 = arith.constant 0 : i32
      %dma_wait3A_661 = arith.constant 0 : i32
      %dma_wait3A_662 = tpu.memref_slice %arg7[%dma_wait3A_659, %dma_wait3A_660, %dma_wait3A_661] : memref<4x512x40xf32, #tpu.memory_space<vmem>> -> memref<1x512x40xf32, #tpu.memory_space<vmem>>
      %dma_wait3A_663 = tpu.memref_squeeze %dma_wait3A_662 : memref<1x512x40xf32, #tpu.memory_space<vmem>> -> memref<512x40xf32, #tpu.memory_space<vmem>>
      %dma_wait3A_664 = arith.constant 0 : i32
      %dma_wait3A_665 = tpu.memref_slice %arg6[%dma_wait3A_658, %dma_wait3A_664] : memref<4x512xi32, #tpu.memory_space<vmem>> -> memref<1x512xi32, #tpu.memory_space<vmem>>
      %dma_wait3A_666 = tpu.memref_squeeze %dma_wait3A_665 : memref<1x512xi32, #tpu.memory_space<vmem>> -> memref<512xi32, #tpu.memory_space<vmem>>
      %dma_wait3A_667 = arith.constant 0 : i32
      %dma_wait3A_668 = arith.constant 0 : i32
      %dma_wait3A_669 = tpu.memref_slice %arg3[%dma_wait3A_667, %dma_wait3A_668] : memref<125000x40xf32, #tpu.memory_space<hbm>> -> memref<125000x40xf32, #tpu.memory_space<hbm>>
      tpu.wait_indirect_dma semaphore(%arg9 : memref<!tpu.dma_semaphore, #tpu.memory_space<semaphore_mem>>) src(%dma_wait3A_669 : memref<125000x40xf32, #tpu.memory_space<hbm>>) dst(%dma_wait3A_663 : memref<512x40xf32, #tpu.memory_space<vmem>>)
      %mul3A_670 = arith.constant 4 : i32
      %mul3A_671 = arith.muli %mul3A_670, %scan3A_6 : i32
      %add3A_672 = arith.constant 3 : i32
      %add3A_673 = arith.addi %mul3A_671, %add3A_672 : i32
      %broadcast_in_dim3A_674 = arith.constant 3 : i32
      %broadcast_in_dim3A_675 = vector.broadcast %broadcast_in_dim3A_674 : i32 to vector<16xi32>
      %scan3A_676 = arith.constant 0 : i32
      %scan3A_677 = arith.constant 0 : i32
      %scan3A_678 = arith.constant 32 : i32
      %scan3A_679 = arith.addi %scan3A_677, %scan3A_678 : i32
      %scan3A_680 = arith.constant 1 : i32
      scf.for %scan3A_965 = %scan3A_677 to %scan3A_679 step %scan3A_680  : i32 {
        %mul3A_966 = arith.constant 16 : i32
        %mul3A_967 = arith.muli %scan3A_965, %mul3A_966 : i32
        %get3A = arith.constant 3 : i32
        %get3A_968 = arith.index_cast %get3A : i32 to index
        %get3A_969 = arith.index_cast %mul3A_967 : i32 to index
        %get3A_970 = tpu.vector_load %arg5[%get3A_968, %get3A_969] {strides = array<i32>} : memref<4x512xi32, #tpu.memory_space<vmem>>, vector<16xi32>,
        %and3A_971 = arith.constant 7 : i32
        %and3A_972 = vector.broadcast %and3A_971 : i32 to vector<16xi32>
        %and3A_973 = arith.andi %get3A_970, %and3A_972 : vector<16xi32>
        %mul3A_974 = arith.constant 5 : i32
        %mul3A_975 = vector.broadcast %mul3A_974 : i32 to vector<16xi32>
        %mul3A_976 = arith.muli %and3A_973, %mul3A_975 : vector<16xi32>
        %mul3A_977 = arith.constant 16 : i32
        %mul3A_978 = arith.muli %scan3A_965, %mul3A_977 : i32
        %add3A_979 = vector.broadcast %mul3A_978 : i32 to vector<16xi32>
        %add3A_980 = arith.addi %add3A_979, %iota3A : vector<16xi32>
        %add3A_981 = arith.constant 0 : i32
        %add3A_982 = vector.broadcast %add3A_981 : i32 to vector<16xi32>
        %add3A_983 = arith.addi %mul3A_976, %add3A_982 : vector<16xi32>
        %gather3A = tpu.vector_load_idx %arg7[%broadcast_in_dim3A_675, %add3A_980, %add3A_983] : memref<4x512x40xf32, #tpu.memory_space<vmem>>[vector<16xi32>, vector<16xi32>, vector<16xi32>], vector<16xf32>,
        %mul3A_984 = arith.constant 16 : i32
        %mul3A_985 = arith.muli %scan3A_965, %mul3A_984 : i32
        %swap3A = arith.constant 15 : i32
        %swap3A_986 = arith.index_cast %swap3A : i32 to index
        %swap3A_987 = arith.index_cast %mul3A_985 : i32 to index
        %swap3A_988 = tpu.vector_load %arg8[%swap3A_986, %swap3A_987] {strides = array<i32>} : memref<20x512xf32, #tpu.memory_space<vmem>>, vector<16xf32>,
        tpu.vector_store %arg8[%swap3A_986, %swap3A_987], %gather3A {strides = array<i32>} : memref<20x512xf32, #tpu.memory_space<vmem>>, vector<16xf32>,
        %add3A_989 = arith.constant 1 : i32
        %add3A_990 = vector.broadcast %add3A_989 : i32 to vector<16xi32>
        %add3A_991 = arith.addi %mul3A_976, %add3A_990 : vector<16xi32>
        %gather3A_992 = tpu.vector_load_idx %arg7[%broadcast_in_dim3A_675, %add3A_980, %add3A_991] : memref<4x512x40xf32, #tpu.memory_space<vmem>>[vector<16xi32>, vector<16xi32>, vector<16xi32>], vector<16xf32>,
        %mul3A_993 = arith.constant 16 : i32
        %mul3A_994 = arith.muli %scan3A_965, %mul3A_993 : i32
        %swap3A_995 = arith.constant 16 : i32
        %swap3A_996 = arith.index_cast %swap3A_995 : i32 to index
        %swap3A_997 = arith.index_cast %mul3A_994 : i32 to index
        %swap3A_998 = tpu.vector_load %arg8[%swap3A_996, %swap3A_997] {strides = array<i32>} : memref<20x512xf32, #tpu.memory_space<vmem>>, vector<16xf32>,
        tpu.vector_store %arg8[%swap3A_996, %swap3A_997], %gather3A_992 {strides = array<i32>} : memref<20x512xf32, #tpu.memory_space<vmem>>, vector<16xf32>,
        %add3A_999 = arith.constant 2 : i32
        %add3A_1000 = vector.broadcast %add3A_999 : i32 to vector<16xi32>
        %add3A_1001 = arith.addi %mul3A_976, %add3A_1000 : vector<16xi32>
        %gather3A_1002 = tpu.vector_load_idx %arg7[%broadcast_in_dim3A_675, %add3A_980, %add3A_1001] : memref<4x512x40xf32, #tpu.memory_space<vmem>>[vector<16xi32>, vector<16xi32>, vector<16xi32>], vector<16xf32>,
        %mul3A_1003 = arith.constant 16 : i32
        %mul3A_1004 = arith.muli %scan3A_965, %mul3A_1003 : i32
        %swap3A_1005 = arith.constant 17 : i32
        %swap3A_1006 = arith.index_cast %swap3A_1005 : i32 to index
        %swap3A_1007 = arith.index_cast %mul3A_1004 : i32 to index
        %swap3A_1008 = tpu.vector_load %arg8[%swap3A_1006, %swap3A_1007] {strides = array<i32>} : memref<20x512xf32, #tpu.memory_space<vmem>>, vector<16xf32>,
        tpu.vector_store %arg8[%swap3A_1006, %swap3A_1007], %gather3A_1002 {strides = array<i32>} : memref<20x512xf32, #tpu.memory_space<vmem>>, vector<16xf32>,
        %add3A_1009 = arith.constant 3 : i32
        %add3A_1010 = vector.broadcast %add3A_1009 : i32 to vector<16xi32>
        %add3A_1011 = arith.addi %mul3A_976, %add3A_1010 : vector<16xi32>
        %gather3A_1012 = tpu.vector_load_idx %arg7[%broadcast_in_dim3A_675, %add3A_980, %add3A_1011] : memref<4x512x40xf32, #tpu.memory_space<vmem>>[vector<16xi32>, vector<16xi32>, vector<16xi32>], vector<16xf32>,
        %mul3A_1013 = arith.constant 16 : i32
        %mul3A_1014 = arith.muli %scan3A_965, %mul3A_1013 : i32
        %swap3A_1015 = arith.constant 18 : i32
        %swap3A_1016 = arith.index_cast %swap3A_1015 : i32 to index
        %swap3A_1017 = arith.index_cast %mul3A_1014 : i32 to index
        %swap3A_1018 = tpu.vector_load %arg8[%swap3A_1016, %swap3A_1017] {strides = array<i32>} : memref<20x512xf32, #tpu.memory_space<vmem>>, vector<16xf32>,
        tpu.vector_store %arg8[%swap3A_1016, %swap3A_1017], %gather3A_1012 {strides = array<i32>} : memref<20x512xf32, #tpu.memory_space<vmem>>, vector<16xf32>,
        %add3A_1019 = arith.constant 4 : i32
        %add3A_1020 = vector.broadcast %add3A_1019 : i32 to vector<16xi32>
        %add3A_1021 = arith.addi %mul3A_976, %add3A_1020 : vector<16xi32>
        %gather3A_1022 = tpu.vector_load_idx %arg7[%broadcast_in_dim3A_675, %add3A_980, %add3A_1021] : memref<4x512x40xf32, #tpu.memory_space<vmem>>[vector<16xi32>, vector<16xi32>, vector<16xi32>], vector<16xf32>,
        %mul3A_1023 = arith.constant 16 : i32
        %mul3A_1024 = arith.muli %scan3A_965, %mul3A_1023 : i32
        %swap3A_1025 = arith.constant 19 : i32
        %swap3A_1026 = arith.index_cast %swap3A_1025 : i32 to index
        %swap3A_1027 = arith.index_cast %mul3A_1024 : i32 to index
        %swap3A_1028 = tpu.vector_load %arg8[%swap3A_1026, %swap3A_1027] {strides = array<i32>} : memref<20x512xf32, #tpu.memory_space<vmem>>, vector<16xf32>,
        tpu.vector_store %arg8[%swap3A_1026, %swap3A_1027], %gather3A_1022 {strides = array<i32>} : memref<20x512xf32, #tpu.memory_space<vmem>>, vector<16xf32>,
      }
      %scan3A_681 = arith.constant 32 : i32
      %jit3A_682 = arith.constant 8 : i32
      %div3A_683 = arith.divsi %add3A_673, %jit3A_682 : i32
      %sign3A_684 = arith.constant 0 : i32
      %sign3A_685 = arith.cmpi sgt, %add3A_673, %sign3A_684 : i32
      %sign3A_686 = arith.extui %sign3A_685 : i1 to i32
      %sign3A_687 = arith.constant 0 : i32
      %sign3A_688 = arith.cmpi slt, %add3A_673, %sign3A_687 : i32
      %sign3A_689 = arith.extui %sign3A_688 : i1 to i32
      %sign3A_690 = arith.subi %sign3A_686, %sign3A_689 : i32
      %sign3A_691 = arith.constant 0 : i32
      %sign3A_692 = arith.cmpi sgt, %jit3A_682, %sign3A_691 : i32
      %sign3A_693 = arith.extui %sign3A_692 : i1 to i32
      %sign3A_694 = arith.constant 0 : i32
      %sign3A_695 = arith.cmpi slt, %jit3A_682, %sign3A_694 : i32
      %sign3A_696 = arith.extui %sign3A_695 : i1 to i32
      %sign3A_697 = arith.subi %sign3A_693, %sign3A_696 : i32
      %ne3A_698 = arith.cmpi ne, %sign3A_690, %sign3A_697 : i32
      %rem3A_699 = arith.remsi %add3A_673, %jit3A_682 : i32
      %ne3A_700 = arith.constant 0 : i32
      %ne3A_701 = arith.cmpi ne, %rem3A_699, %ne3A_700 : i32
      %and3A_702 = arith.andi %ne3A_698, %ne3A_701 : i1
      %sub3A_703 = arith.constant 1 : i32
      %sub3A_704 = arith.subi %div3A_683, %sub3A_703 : i32
      %select_n3A_705 = arith.select %and3A_702, %sub3A_704, %div3A_683 : i32
      %jit3A_706 = arith.constant 8 : i32
      %eq3A_707 = arith.constant 0 : i32
      %eq3A_708 = arith.cmpi eq, %jit3A_706, %eq3A_707 : i32
      %jit3A_709 = arith.constant 1 : i32
      %select_n3A_710 = arith.select %eq3A_708, %jit3A_709, %jit3A_706 : i32
      %rem3A_711 = arith.remsi %add3A_673, %select_n3A_710 : i32
      %ne3A_712 = arith.constant 0 : i32
      %ne3A_713 = arith.cmpi ne, %rem3A_711, %ne3A_712 : i32
      %lt3A_714 = arith.constant 0 : i32
      %lt3A_715 = arith.cmpi slt, %rem3A_711, %lt3A_714 : i32
      %lt3A_716 = arith.constant 0 : i32
      %lt3A_717 = arith.cmpi slt, %select_n3A_710, %lt3A_716 : i32
      %ne3A_718 = arith.xori %lt3A_715, %lt3A_717 : i1
      %and3A_719 = arith.andi %ne3A_718, %ne3A_713 : i1
      %add3A_720 = arith.addi %rem3A_711, %select_n3A_710 : i32
      %select_n3A_721 = arith.select %and3A_719, %add3A_720, %rem3A_711 : i32
      %mul3A_722 = arith.constant 131072 : i32
      %mul3A_723 = arith.muli %select_n3A_705, %mul3A_722 : i32
      %mul3A_724 = arith.constant 8 : i32
      %mul3A_725 = arith.muli %add3A, %mul3A_724 : i32
      %add3A_726 = arith.addi %mul3A_725, %select_n3A_721 : i32
      %mul3A_727 = arith.constant 512 : i32
      %mul3A_728 = arith.muli %add3A_726, %mul3A_727 : i32
      %add3A_729 = arith.addi %mul3A_723, %mul3A_728 : i32
      %add3A_730 = arith.constant 0 : i32
      %add3A_731 = arith.addi %add3A_730, %add3A_729 : i32
      %dma_start3A_732 = arith.constant 15 : i32
      %dma_start3A_733 = arith.constant 0 : i32
      %dma_start3A_734 = tpu.memref_slice %arg8[%dma_start3A_732, %dma_start3A_733] : memref<20x512xf32, #tpu.memory_space<vmem>> -> memref<1x512xf32, #tpu.memory_space<vmem>>
      %dma_start3A_735 = tpu.memref_squeeze %dma_start3A_734 : memref<1x512xf32, #tpu.memory_space<vmem>> -> memref<512xf32, #tpu.memory_space<vmem>>
      %dma_start3A_736 = tpu.memref_slice %arg4[%add3A_731] : memref<16384000xf32, #tpu.memory_space<hbm>> -> memref<512xf32, #tpu.memory_space<hbm>>
      %dma_start3A_737 = tpu.memref_slice %arg4[%add3A_731] : memref<16384000xf32, #tpu.memory_space<hbm>> -> memref<512xf32, #tpu.memory_space<hbm>>
      %dma_start3A_738 = arith.constant 0 : i32
      %dma_start3A_739 = tpu.memref_slice %arg8[%dma_start3A_732, %dma_start3A_738] : memref<20x512xf32, #tpu.memory_space<vmem>> -> memref<1x512xf32, #tpu.memory_space<vmem>>
      %dma_start3A_740 = tpu.memref_squeeze %dma_start3A_739 : memref<1x512xf32, #tpu.memory_space<vmem>> -> memref<512xf32, #tpu.memory_space<vmem>>
      tpu.enqueue_dma source(%dma_start3A_740 : memref<512xf32, #tpu.memory_space<vmem>>) target(%dma_start3A_737 : memref<512xf32, #tpu.memory_space<hbm>>) target_semaphore(%arg10 : memref<!tpu.dma_semaphore, #tpu.memory_space<semaphore_mem>>)
      %add3A_741 = arith.constant 3276800 : i32
      %add3A_742 = arith.addi %add3A_741, %add3A_729 : i32
      %dma_start3A_743 = arith.constant 16 : i32
      %dma_start3A_744 = arith.constant 0 : i32
      %dma_start3A_745 = tpu.memref_slice %arg8[%dma_start3A_743, %dma_start3A_744] : memref<20x512xf32, #tpu.memory_space<vmem>> -> memref<1x512xf32, #tpu.memory_space<vmem>>
      %dma_start3A_746 = tpu.memref_squeeze %dma_start3A_745 : memref<1x512xf32, #tpu.memory_space<vmem>> -> memref<512xf32, #tpu.memory_space<vmem>>
      %dma_start3A_747 = tpu.memref_slice %arg4[%add3A_742] : memref<16384000xf32, #tpu.memory_space<hbm>> -> memref<512xf32, #tpu.memory_space<hbm>>
      %dma_start3A_748 = tpu.memref_slice %arg4[%add3A_742] : memref<16384000xf32, #tpu.memory_space<hbm>> -> memref<512xf32, #tpu.memory_space<hbm>>
      %dma_start3A_749 = arith.constant 0 : i32
      %dma_start3A_750 = tpu.memref_slice %arg8[%dma_start3A_743, %dma_start3A_749] : memref<20x512xf32, #tpu.memory_space<vmem>> -> memref<1x512xf32, #tpu.memory_space<vmem>>
      %dma_start3A_751 = tpu.memref_squeeze %dma_start3A_750 : memref<1x512xf32, #tpu.memory_space<vmem>> -> memref<512xf32, #tpu.memory_space<vmem>>
      tpu.enqueue_dma source(%dma_start3A_751 : memref<512xf32, #tpu.memory_space<vmem>>) target(%dma_start3A_748 : memref<512xf32, #tpu.memory_space<hbm>>) target_semaphore(%arg10 : memref<!tpu.dma_semaphore, #tpu.memory_space<semaphore_mem>>)
      %add3A_752 = arith.constant 6553600 : i32
      %add3A_753 = arith.addi %add3A_752, %add3A_729 : i32
      %dma_start3A_754 = arith.constant 17 : i32
      %dma_start3A_755 = arith.constant 0 : i32
      %dma_start3A_756 = tpu.memref_slice %arg8[%dma_start3A_754, %dma_start3A_755] : memref<20x512xf32, #tpu.memory_space<vmem>> -> memref<1x512xf32, #tpu.memory_space<vmem>>
      %dma_start3A_757 = tpu.memref_squeeze %dma_start3A_756 : memref<1x512xf32, #tpu.memory_space<vmem>> -> memref<512xf32, #tpu.memory_space<vmem>>
      %dma_start3A_758 = tpu.memref_slice %arg4[%add3A_753] : memref<16384000xf32, #tpu.memory_space<hbm>> -> memref<512xf32, #tpu.memory_space<hbm>>
      %dma_start3A_759 = tpu.memref_slice %arg4[%add3A_753] : memref<16384000xf32, #tpu.memory_space<hbm>> -> memref<512xf32, #tpu.memory_space<hbm>>
      %dma_start3A_760 = arith.constant 0 : i32
      %dma_start3A_761 = tpu.memref_slice %arg8[%dma_start3A_754, %dma_start3A_760] : memref<20x512xf32, #tpu.memory_space<vmem>> -> memref<1x512xf32, #tpu.memory_space<vmem>>
      %dma_start3A_762 = tpu.memref_squeeze %dma_start3A_761 : memref<1x512xf32, #tpu.memory_space<vmem>> -> memref<512xf32, #tpu.memory_space<vmem>>
      tpu.enqueue_dma source(%dma_start3A_762 : memref<512xf32, #tpu.memory_space<vmem>>) target(%dma_start3A_759 : memref<512xf32, #tpu.memory_space<hbm>>) target_semaphore(%arg10 : memref<!tpu.dma_semaphore, #tpu.memory_space<semaphore_mem>>)
      %add3A_763 = arith.constant 9830400 : i32
      %add3A_764 = arith.addi %add3A_763, %add3A_729 : i32
      %dma_start3A_765 = arith.constant 18 : i32
      %dma_start3A_766 = arith.constant 0 : i32
      %dma_start3A_767 = tpu.memref_slice %arg8[%dma_start3A_765, %dma_start3A_766] : memref<20x512xf32, #tpu.memory_space<vmem>> -> memref<1x512xf32, #tpu.memory_space<vmem>>
      %dma_start3A_768 = tpu.memref_squeeze %dma_start3A_767 : memref<1x512xf32, #tpu.memory_space<vmem>> -> memref<512xf32, #tpu.memory_space<vmem>>
      %dma_start3A_769 = tpu.memref_slice %arg4[%add3A_764] : memref<16384000xf32, #tpu.memory_space<hbm>> -> memref<512xf32, #tpu.memory_space<hbm>>
      %dma_start3A_770 = tpu.memref_slice %arg4[%add3A_764] : memref<16384000xf32, #tpu.memory_space<hbm>> -> memref<512xf32, #tpu.memory_space<hbm>>
      %dma_start3A_771 = arith.constant 0 : i32
      %dma_start3A_772 = tpu.memref_slice %arg8[%dma_start3A_765, %dma_start3A_771] : memref<20x512xf32, #tpu.memory_space<vmem>> -> memref<1x512xf32, #tpu.memory_space<vmem>>
      %dma_start3A_773 = tpu.memref_squeeze %dma_start3A_772 : memref<1x512xf32, #tpu.memory_space<vmem>> -> memref<512xf32, #tpu.memory_space<vmem>>
      tpu.enqueue_dma source(%dma_start3A_773 : memref<512xf32, #tpu.memory_space<vmem>>) target(%dma_start3A_770 : memref<512xf32, #tpu.memory_space<hbm>>) target_semaphore(%arg10 : memref<!tpu.dma_semaphore, #tpu.memory_space<semaphore_mem>>)
      %add3A_774 = arith.constant 13107200 : i32
      %add3A_775 = arith.addi %add3A_774, %add3A_729 : i32
      %dma_start3A_776 = arith.constant 19 : i32
      %dma_start3A_777 = arith.constant 0 : i32
      %dma_start3A_778 = tpu.memref_slice %arg8[%dma_start3A_776, %dma_start3A_777] : memref<20x512xf32, #tpu.memory_space<vmem>> -> memref<1x512xf32, #tpu.memory_space<vmem>>
      %dma_start3A_779 = tpu.memref_squeeze %dma_start3A_778 : memref<1x512xf32, #tpu.memory_space<vmem>> -> memref<512xf32, #tpu.memory_space<vmem>>
      %dma_start3A_780 = tpu.memref_slice %arg4[%add3A_775] : memref<16384000xf32, #tpu.memory_space<hbm>> -> memref<512xf32, #tpu.memory_space<hbm>>
      %dma_start3A_781 = tpu.memref_slice %arg4[%add3A_775] : memref<16384000xf32, #tpu.memory_space<hbm>> -> memref<512xf32, #tpu.memory_space<hbm>>
      %dma_start3A_782 = arith.constant 0 : i32
      %dma_start3A_783 = tpu.memref_slice %arg8[%dma_start3A_776, %dma_start3A_782] : memref<20x512xf32, #tpu.memory_space<vmem>> -> memref<1x512xf32, #tpu.memory_space<vmem>>
      %dma_start3A_784 = tpu.memref_squeeze %dma_start3A_783 : memref<1x512xf32, #tpu.memory_space<vmem>> -> memref<512xf32, #tpu.memory_space<vmem>>
      tpu.enqueue_dma source(%dma_start3A_784 : memref<512xf32, #tpu.memory_space<vmem>>) target(%dma_start3A_781 : memref<512xf32, #tpu.memory_space<hbm>>) target_semaphore(%arg10 : memref<!tpu.dma_semaphore, #tpu.memory_space<semaphore_mem>>)
      %dma_wait3A_785 = arith.constant 0 : i32
      %dma_wait3A_786 = arith.constant 0 : i32
      %dma_wait3A_787 = tpu.memref_slice %arg8[%dma_wait3A_785, %dma_wait3A_786] : memref<20x512xf32, #tpu.memory_space<vmem>> -> memref<1x512xf32, #tpu.memory_space<vmem>>
      %dma_wait3A_788 = tpu.memref_squeeze %dma_wait3A_787 : memref<1x512xf32, #tpu.memory_space<vmem>> -> memref<512xf32, #tpu.memory_space<vmem>>
      %dma_wait3A_789 = tpu.memref_slice %arg4[%add3A_350] : memref<16384000xf32, #tpu.memory_space<hbm>> -> memref<512xf32, #tpu.memory_space<hbm>>
      %dma_wait3A_790 = tpu.memref_slice %arg4[%add3A_350] : memref<16384000xf32, #tpu.memory_space<hbm>> -> memref<512xf32, #tpu.memory_space<hbm>>
      %dma_wait3A_791 = arith.constant 0 : i32
      %dma_wait3A_792 = tpu.memref_slice %arg8[%dma_wait3A_785, %dma_wait3A_791] : memref<20x512xf32, #tpu.memory_space<vmem>> -> memref<1x512xf32, #tpu.memory_space<vmem>>
      %dma_wait3A_793 = tpu.memref_squeeze %dma_wait3A_792 : memref<1x512xf32, #tpu.memory_space<vmem>> -> memref<512xf32, #tpu.memory_space<vmem>>
      tpu.wait_dma2 semaphore(%arg10 : memref<!tpu.dma_semaphore, #tpu.memory_space<semaphore_mem>>) src(%dma_wait3A_793 : memref<512xf32, #tpu.memory_space<vmem>>) dst(%dma_wait3A_790 : memref<512xf32, #tpu.memory_space<hbm>>)
      %dma_wait3A_794 = arith.constant 1 : i32
      %dma_wait3A_795 = arith.constant 0 : i32
      %dma_wait3A_796 = tpu.memref_slice %arg8[%dma_wait3A_794, %dma_wait3A_795] : memref<20x512xf32, #tpu.memory_space<vmem>> -> memref<1x512xf32, #tpu.memory_space<vmem>>
      %dma_wait3A_797 = tpu.memref_squeeze %dma_wait3A_796 : memref<1x512xf32, #tpu.memory_space<vmem>> -> memref<512xf32, #tpu.memory_space<vmem>>
      %dma_wait3A_798 = tpu.memref_slice %arg4[%add3A_361] : memref<16384000xf32, #tpu.memory_space<hbm>> -> memref<512xf32, #tpu.memory_space<hbm>>
      %dma_wait3A_799 = tpu.memref_slice %arg4[%add3A_361] : memref<16384000xf32, #tpu.memory_space<hbm>> -> memref<512xf32, #tpu.memory_space<hbm>>
      %dma_wait3A_800 = arith.constant 0 : i32
      %dma_wait3A_801 = tpu.memref_slice %arg8[%dma_wait3A_794, %dma_wait3A_800] : memref<20x512xf32, #tpu.memory_space<vmem>> -> memref<1x512xf32, #tpu.memory_space<vmem>>
      %dma_wait3A_802 = tpu.memref_squeeze %dma_wait3A_801 : memref<1x512xf32, #tpu.memory_space<vmem>> -> memref<512xf32, #tpu.memory_space<vmem>>
      tpu.wait_dma2 semaphore(%arg10 : memref<!tpu.dma_semaphore, #tpu.memory_space<semaphore_mem>>) src(%dma_wait3A_802 : memref<512xf32, #tpu.memory_space<vmem>>) dst(%dma_wait3A_799 : memref<512xf32, #tpu.memory_space<hbm>>)
      %dma_wait3A_803 = arith.constant 2 : i32
      %dma_wait3A_804 = arith.constant 0 : i32
      %dma_wait3A_805 = tpu.memref_slice %arg8[%dma_wait3A_803, %dma_wait3A_804] : memref<20x512xf32, #tpu.memory_space<vmem>> -> memref<1x512xf32, #tpu.memory_space<vmem>>
      %dma_wait3A_806 = tpu.memref_squeeze %dma_wait3A_805 : memref<1x512xf32, #tpu.memory_space<vmem>> -> memref<512xf32, #tpu.memory_space<vmem>>
      %dma_wait3A_807 = tpu.memref_slice %arg4[%add3A_372] : memref<16384000xf32, #tpu.memory_space<hbm>> -> memref<512xf32, #tpu.memory_space<hbm>>
      %dma_wait3A_808 = tpu.memref_slice %arg4[%add3A_372] : memref<16384000xf32, #tpu.memory_space<hbm>> -> memref<512xf32, #tpu.memory_space<hbm>>
      %dma_wait3A_809 = arith.constant 0 : i32
      %dma_wait3A_810 = tpu.memref_slice %arg8[%dma_wait3A_803, %dma_wait3A_809] : memref<20x512xf32, #tpu.memory_space<vmem>> -> memref<1x512xf32, #tpu.memory_space<vmem>>
      %dma_wait3A_811 = tpu.memref_squeeze %dma_wait3A_810 : memref<1x512xf32, #tpu.memory_space<vmem>> -> memref<512xf32, #tpu.memory_space<vmem>>
      tpu.wait_dma2 semaphore(%arg10 : memref<!tpu.dma_semaphore, #tpu.memory_space<semaphore_mem>>) src(%dma_wait3A_811 : memref<512xf32, #tpu.memory_space<vmem>>) dst(%dma_wait3A_808 : memref<512xf32, #tpu.memory_space<hbm>>)
      %dma_wait3A_812 = arith.constant 3 : i32
      %dma_wait3A_813 = arith.constant 0 : i32
      %dma_wait3A_814 = tpu.memref_slice %arg8[%dma_wait3A_812, %dma_wait3A_813] : memref<20x512xf32, #tpu.memory_space<vmem>> -> memref<1x512xf32, #tpu.memory_space<vmem>>
      %dma_wait3A_815 = tpu.memref_squeeze %dma_wait3A_814 : memref<1x512xf32, #tpu.memory_space<vmem>> -> memref<512xf32, #tpu.memory_space<vmem>>
      %dma_wait3A_816 = tpu.memref_slice %arg4[%add3A_383] : memref<16384000xf32, #tpu.memory_space<hbm>> -> memref<512xf32, #tpu.memory_space<hbm>>
      %dma_wait3A_817 = tpu.memref_slice %arg4[%add3A_383] : memref<16384000xf32, #tpu.memory_space<hbm>> -> memref<512xf32, #tpu.memory_space<hbm>>
      %dma_wait3A_818 = arith.constant 0 : i32
      %dma_wait3A_819 = tpu.memref_slice %arg8[%dma_wait3A_812, %dma_wait3A_818] : memref<20x512xf32, #tpu.memory_space<vmem>> -> memref<1x512xf32, #tpu.memory_space<vmem>>
      %dma_wait3A_820 = tpu.memref_squeeze %dma_wait3A_819 : memref<1x512xf32, #tpu.memory_space<vmem>> -> memref<512xf32, #tpu.memory_space<vmem>>
      tpu.wait_dma2 semaphore(%arg10 : memref<!tpu.dma_semaphore, #tpu.memory_space<semaphore_mem>>) src(%dma_wait3A_820 : memref<512xf32, #tpu.memory_space<vmem>>) dst(%dma_wait3A_817 : memref<512xf32, #tpu.memory_space<hbm>>)
      %dma_wait3A_821 = arith.constant 4 : i32
      %dma_wait3A_822 = arith.constant 0 : i32
      %dma_wait3A_823 = tpu.memref_slice %arg8[%dma_wait3A_821, %dma_wait3A_822] : memref<20x512xf32, #tpu.memory_space<vmem>> -> memref<1x512xf32, #tpu.memory_space<vmem>>
      %dma_wait3A_824 = tpu.memref_squeeze %dma_wait3A_823 : memref<1x512xf32, #tpu.memory_space<vmem>> -> memref<512xf32, #tpu.memory_space<vmem>>
      %dma_wait3A_825 = tpu.memref_slice %arg4[%add3A_394] : memref<16384000xf32, #tpu.memory_space<hbm>> -> memref<512xf32, #tpu.memory_space<hbm>>
      %dma_wait3A_826 = tpu.memref_slice %arg4[%add3A_394] : memref<16384000xf32, #tpu.memory_space<hbm>> -> memref<512xf32, #tpu.memory_space<hbm>>
      %dma_wait3A_827 = arith.constant 0 : i32
      %dma_wait3A_828 = tpu.memref_slice %arg8[%dma_wait3A_821, %dma_wait3A_827] : memref<20x512xf32, #tpu.memory_space<vmem>> -> memref<1x512xf32, #tpu.memory_space<vmem>>
      %dma_wait3A_829 = tpu.memref_squeeze %dma_wait3A_828 : memref<1x512xf32, #tpu.memory_space<vmem>> -> memref<512xf32, #tpu.memory_space<vmem>>
      tpu.wait_dma2 semaphore(%arg10 : memref<!tpu.dma_semaphore, #tpu.memory_space<semaphore_mem>>) src(%dma_wait3A_829 : memref<512xf32, #tpu.memory_space<vmem>>) dst(%dma_wait3A_826 : memref<512xf32, #tpu.memory_space<hbm>>)
      %dma_wait3A_830 = arith.constant 5 : i32
      %dma_wait3A_831 = arith.constant 0 : i32
      %dma_wait3A_832 = tpu.memref_slice %arg8[%dma_wait3A_830, %dma_wait3A_831] : memref<20x512xf32, #tpu.memory_space<vmem>> -> memref<1x512xf32, #tpu.memory_space<vmem>>
      %dma_wait3A_833 = tpu.memref_squeeze %dma_wait3A_832 : memref<1x512xf32, #tpu.memory_space<vmem>> -> memref<512xf32, #tpu.memory_space<vmem>>
      %dma_wait3A_834 = tpu.memref_slice %arg4[%add3A_477] : memref<16384000xf32, #tpu.memory_space<hbm>> -> memref<512xf32, #tpu.memory_space<hbm>>
      %dma_wait3A_835 = tpu.memref_slice %arg4[%add3A_477] : memref<16384000xf32, #tpu.memory_space<hbm>> -> memref<512xf32, #tpu.memory_space<hbm>>
      %dma_wait3A_836 = arith.constant 0 : i32
      %dma_wait3A_837 = tpu.memref_slice %arg8[%dma_wait3A_830, %dma_wait3A_836] : memref<20x512xf32, #tpu.memory_space<vmem>> -> memref<1x512xf32, #tpu.memory_space<vmem>>
      %dma_wait3A_838 = tpu.memref_squeeze %dma_wait3A_837 : memref<1x512xf32, #tpu.memory_space<vmem>> -> memref<512xf32, #tpu.memory_space<vmem>>
      tpu.wait_dma2 semaphore(%arg10 : memref<!tpu.dma_semaphore, #tpu.memory_space<semaphore_mem>>) src(%dma_wait3A_838 : memref<512xf32, #tpu.memory_space<vmem>>) dst(%dma_wait3A_835 : memref<512xf32, #tpu.memory_space<hbm>>)
      %dma_wait3A_839 = arith.constant 6 : i32
      %dma_wait3A_840 = arith.constant 0 : i32
      %dma_wait3A_841 = tpu.memref_slice %arg8[%dma_wait3A_839, %dma_wait3A_840] : memref<20x512xf32, #tpu.memory_space<vmem>> -> memref<1x512xf32, #tpu.memory_space<vmem>>
      %dma_wait3A_842 = tpu.memref_squeeze %dma_wait3A_841 : memref<1x512xf32, #tpu.memory_space<vmem>> -> memref<512xf32, #tpu.memory_space<vmem>>
      %dma_wait3A_843 = tpu.memref_slice %arg4[%add3A_488] : memref<16384000xf32, #tpu.memory_space<hbm>> -> memref<512xf32, #tpu.memory_space<hbm>>
      %dma_wait3A_844 = tpu.memref_slice %arg4[%add3A_488] : memref<16384000xf32, #tpu.memory_space<hbm>> -> memref<512xf32, #tpu.memory_space<hbm>>
      %dma_wait3A_845 = arith.constant 0 : i32
      %dma_wait3A_846 = tpu.memref_slice %arg8[%dma_wait3A_839, %dma_wait3A_845] : memref<20x512xf32, #tpu.memory_space<vmem>> -> memref<1x512xf32, #tpu.memory_space<vmem>>
      %dma_wait3A_847 = tpu.memref_squeeze %dma_wait3A_846 : memref<1x512xf32, #tpu.memory_space<vmem>> -> memref<512xf32, #tpu.memory_space<vmem>>
      tpu.wait_dma2 semaphore(%arg10 : memref<!tpu.dma_semaphore, #tpu.memory_space<semaphore_mem>>) src(%dma_wait3A_847 : memref<512xf32, #tpu.memory_space<vmem>>) dst(%dma_wait3A_844 : memref<512xf32, #tpu.memory_space<hbm>>)
      %dma_wait3A_848 = arith.constant 7 : i32
      %dma_wait3A_849 = arith.constant 0 : i32
      %dma_wait3A_850 = tpu.memref_slice %arg8[%dma_wait3A_848, %dma_wait3A_849] : memref<20x512xf32, #tpu.memory_space<vmem>> -> memref<1x512xf32, #tpu.memory_space<vmem>>
      %dma_wait3A_851 = tpu.memref_squeeze %dma_wait3A_850 : memref<1x512xf32, #tpu.memory_space<vmem>> -> memref<512xf32, #tpu.memory_space<vmem>>
      %dma_wait3A_852 = tpu.memref_slice %arg4[%add3A_499] : memref<16384000xf32, #tpu.memory_space<hbm>> -> memref<512xf32, #tpu.memory_space<hbm>>
      %dma_wait3A_853 = tpu.memref_slice %arg4[%add3A_499] : memref<16384000xf32, #tpu.memory_space<hbm>> -> memref<512xf32, #tpu.memory_space<hbm>>
      %dma_wait3A_854 = arith.constant 0 : i32
      %dma_wait3A_855 = tpu.memref_slice %arg8[%dma_wait3A_848, %dma_wait3A_854] : memref<20x512xf32, #tpu.memory_space<vmem>> -> memref<1x512xf32, #tpu.memory_space<vmem>>
      %dma_wait3A_856 = tpu.memref_squeeze %dma_wait3A_855 : memref<1x512xf32, #tpu.memory_space<vmem>> -> memref<512xf32, #tpu.memory_space<vmem>>
      tpu.wait_dma2 semaphore(%arg10 : memref<!tpu.dma_semaphore, #tpu.memory_space<semaphore_mem>>) src(%dma_wait3A_856 : memref<512xf32, #tpu.memory_space<vmem>>) dst(%dma_wait3A_853 : memref<512xf32, #tpu.memory_space<hbm>>)
      %dma_wait3A_857 = arith.constant 8 : i32
      %dma_wait3A_858 = arith.constant 0 : i32
      %dma_wait3A_859 = tpu.memref_slice %arg8[%dma_wait3A_857, %dma_wait3A_858] : memref<20x512xf32, #tpu.memory_space<vmem>> -> memref<1x512xf32, #tpu.memory_space<vmem>>
      %dma_wait3A_860 = tpu.memref_squeeze %dma_wait3A_859 : memref<1x512xf32, #tpu.memory_space<vmem>> -> memref<512xf32, #tpu.memory_space<vmem>>
      %dma_wait3A_861 = tpu.memref_slice %arg4[%add3A_510] : memref<16384000xf32, #tpu.memory_space<hbm>> -> memref<512xf32, #tpu.memory_space<hbm>>
      %dma_wait3A_862 = tpu.memref_slice %arg4[%add3A_510] : memref<16384000xf32, #tpu.memory_space<hbm>> -> memref<512xf32, #tpu.memory_space<hbm>>
      %dma_wait3A_863 = arith.constant 0 : i32
      %dma_wait3A_864 = tpu.memref_slice %arg8[%dma_wait3A_857, %dma_wait3A_863] : memref<20x512xf32, #tpu.memory_space<vmem>> -> memref<1x512xf32, #tpu.memory_space<vmem>>
      %dma_wait3A_865 = tpu.memref_squeeze %dma_wait3A_864 : memref<1x512xf32, #tpu.memory_space<vmem>> -> memref<512xf32, #tpu.memory_space<vmem>>
      tpu.wait_dma2 semaphore(%arg10 : memref<!tpu.dma_semaphore, #tpu.memory_space<semaphore_mem>>) src(%dma_wait3A_865 : memref<512xf32, #tpu.memory_space<vmem>>) dst(%dma_wait3A_862 : memref<512xf32, #tpu.memory_space<hbm>>)
      %dma_wait3A_866 = arith.constant 9 : i32
      %dma_wait3A_867 = arith.constant 0 : i32
      %dma_wait3A_868 = tpu.memref_slice %arg8[%dma_wait3A_866, %dma_wait3A_867] : memref<20x512xf32, #tpu.memory_space<vmem>> -> memref<1x512xf32, #tpu.memory_space<vmem>>
      %dma_wait3A_869 = tpu.memref_squeeze %dma_wait3A_868 : memref<1x512xf32, #tpu.memory_space<vmem>> -> memref<512xf32, #tpu.memory_space<vmem>>
      %dma_wait3A_870 = tpu.memref_slice %arg4[%add3A_521] : memref<16384000xf32, #tpu.memory_space<hbm>> -> memref<512xf32, #tpu.memory_space<hbm>>
      %dma_wait3A_871 = tpu.memref_slice %arg4[%add3A_521] : memref<16384000xf32, #tpu.memory_space<hbm>> -> memref<512xf32, #tpu.memory_space<hbm>>
      %dma_wait3A_872 = arith.constant 0 : i32
      %dma_wait3A_873 = tpu.memref_slice %arg8[%dma_wait3A_866, %dma_wait3A_872] : memref<20x512xf32, #tpu.memory_space<vmem>> -> memref<1x512xf32, #tpu.memory_space<vmem>>
      %dma_wait3A_874 = tpu.memref_squeeze %dma_wait3A_873 : memref<1x512xf32, #tpu.memory_space<vmem>> -> memref<512xf32, #tpu.memory_space<vmem>>
      tpu.wait_dma2 semaphore(%arg10 : memref<!tpu.dma_semaphore, #tpu.memory_space<semaphore_mem>>) src(%dma_wait3A_874 : memref<512xf32, #tpu.memory_space<vmem>>) dst(%dma_wait3A_871 : memref<512xf32, #tpu.memory_space<hbm>>)
      %dma_wait3A_875 = arith.constant 10 : i32
      %dma_wait3A_876 = arith.constant 0 : i32
      %dma_wait3A_877 = tpu.memref_slice %arg8[%dma_wait3A_875, %dma_wait3A_876] : memref<20x512xf32, #tpu.memory_space<vmem>> -> memref<1x512xf32, #tpu.memory_space<vmem>>
      %dma_wait3A_878 = tpu.memref_squeeze %dma_wait3A_877 : memref<1x512xf32, #tpu.memory_space<vmem>> -> memref<512xf32, #tpu.memory_space<vmem>>
      %dma_wait3A_879 = tpu.memref_slice %arg4[%add3A_604] : memref<16384000xf32, #tpu.memory_space<hbm>> -> memref<512xf32, #tpu.memory_space<hbm>>
      %dma_wait3A_880 = tpu.memref_slice %arg4[%add3A_604] : memref<16384000xf32, #tpu.memory_space<hbm>> -> memref<512xf32, #tpu.memory_space<hbm>>
      %dma_wait3A_881 = arith.constant 0 : i32
      %dma_wait3A_882 = tpu.memref_slice %arg8[%dma_wait3A_875, %dma_wait3A_881] : memref<20x512xf32, #tpu.memory_space<vmem>> -> memref<1x512xf32, #tpu.memory_space<vmem>>
      %dma_wait3A_883 = tpu.memref_squeeze %dma_wait3A_882 : memref<1x512xf32, #tpu.memory_space<vmem>> -> memref<512xf32, #tpu.memory_space<vmem>>
      tpu.wait_dma2 semaphore(%arg10 : memref<!tpu.dma_semaphore, #tpu.memory_space<semaphore_mem>>) src(%dma_wait3A_883 : memref<512xf32, #tpu.memory_space<vmem>>) dst(%dma_wait3A_880 : memref<512xf32, #tpu.memory_space<hbm>>)
      %dma_wait3A_884 = arith.constant 11 : i32
      %dma_wait3A_885 = arith.constant 0 : i32
      %dma_wait3A_886 = tpu.memref_slice %arg8[%dma_wait3A_884, %dma_wait3A_885] : memref<20x512xf32, #tpu.memory_space<vmem>> -> memref<1x512xf32, #tpu.memory_space<vmem>>
      %dma_wait3A_887 = tpu.memref_squeeze %dma_wait3A_886 : memref<1x512xf32, #tpu.memory_space<vmem>> -> memref<512xf32, #tpu.memory_space<vmem>>
      %dma_wait3A_888 = tpu.memref_slice %arg4[%add3A_615] : memref<16384000xf32, #tpu.memory_space<hbm>> -> memref<512xf32, #tpu.memory_space<hbm>>
      %dma_wait3A_889 = tpu.memref_slice %arg4[%add3A_615] : memref<16384000xf32, #tpu.memory_space<hbm>> -> memref<512xf32, #tpu.memory_space<hbm>>
      %dma_wait3A_890 = arith.constant 0 : i32
      %dma_wait3A_891 = tpu.memref_slice %arg8[%dma_wait3A_884, %dma_wait3A_890] : memref<20x512xf32, #tpu.memory_space<vmem>> -> memref<1x512xf32, #tpu.memory_space<vmem>>
      %dma_wait3A_892 = tpu.memref_squeeze %dma_wait3A_891 : memref<1x512xf32, #tpu.memory_space<vmem>> -> memref<512xf32, #tpu.memory_space<vmem>>
      tpu.wait_dma2 semaphore(%arg10 : memref<!tpu.dma_semaphore, #tpu.memory_space<semaphore_mem>>) src(%dma_wait3A_892 : memref<512xf32, #tpu.memory_space<vmem>>) dst(%dma_wait3A_889 : memref<512xf32, #tpu.memory_space<hbm>>)
      %dma_wait3A_893 = arith.constant 12 : i32
      %dma_wait3A_894 = arith.constant 0 : i32
      %dma_wait3A_895 = tpu.memref_slice %arg8[%dma_wait3A_893, %dma_wait3A_894] : memref<20x512xf32, #tpu.memory_space<vmem>> -> memref<1x512xf32, #tpu.memory_space<vmem>>
      %dma_wait3A_896 = tpu.memref_squeeze %dma_wait3A_895 : memref<1x512xf32, #tpu.memory_space<vmem>> -> memref<512xf32, #tpu.memory_space<vmem>>
      %dma_wait3A_897 = tpu.memref_slice %arg4[%add3A_626] : memref<16384000xf32, #tpu.memory_space<hbm>> -> memref<512xf32, #tpu.memory_space<hbm>>
      %dma_wait3A_898 = tpu.memref_slice %arg4[%add3A_626] : memref<16384000xf32, #tpu.memory_space<hbm>> -> memref<512xf32, #tpu.memory_space<hbm>>
      %dma_wait3A_899 = arith.constant 0 : i32
      %dma_wait3A_900 = tpu.memref_slice %arg8[%dma_wait3A_893, %dma_wait3A_899] : memref<20x512xf32, #tpu.memory_space<vmem>> -> memref<1x512xf32, #tpu.memory_space<vmem>>
      %dma_wait3A_901 = tpu.memref_squeeze %dma_wait3A_900 : memref<1x512xf32, #tpu.memory_space<vmem>> -> memref<512xf32, #tpu.memory_space<vmem>>
      tpu.wait_dma2 semaphore(%arg10 : memref<!tpu.dma_semaphore, #tpu.memory_space<semaphore_mem>>) src(%dma_wait3A_901 : memref<512xf32, #tpu.memory_space<vmem>>) dst(%dma_wait3A_898 : memref<512xf32, #tpu.memory_space<hbm>>)
      %dma_wait3A_902 = arith.constant 13 : i32
      %dma_wait3A_903 = arith.constant 0 : i32
      %dma_wait3A_904 = tpu.memref_slice %arg8[%dma_wait3A_902, %dma_wait3A_903] : memref<20x512xf32, #tpu.memory_space<vmem>> -> memref<1x512xf32, #tpu.memory_space<vmem>>
      %dma_wait3A_905 = tpu.memref_squeeze %dma_wait3A_904 : memref<1x512xf32, #tpu.memory_space<vmem>> -> memref<512xf32, #tpu.memory_space<vmem>>
      %dma_wait3A_906 = tpu.memref_slice %arg4[%add3A_637] : memref<16384000xf32, #tpu.memory_space<hbm>> -> memref<512xf32, #tpu.memory_space<hbm>>
      %dma_wait3A_907 = tpu.memref_slice %arg4[%add3A_637] : memref<16384000xf32, #tpu.memory_space<hbm>> -> memref<512xf32, #tpu.memory_space<hbm>>
      %dma_wait3A_908 = arith.constant 0 : i32
      %dma_wait3A_909 = tpu.memref_slice %arg8[%dma_wait3A_902, %dma_wait3A_908] : memref<20x512xf32, #tpu.memory_space<vmem>> -> memref<1x512xf32, #tpu.memory_space<vmem>>
      %dma_wait3A_910 = tpu.memref_squeeze %dma_wait3A_909 : memref<1x512xf32, #tpu.memory_space<vmem>> -> memref<512xf32, #tpu.memory_space<vmem>>
      tpu.wait_dma2 semaphore(%arg10 : memref<!tpu.dma_semaphore, #tpu.memory_space<semaphore_mem>>) src(%dma_wait3A_910 : memref<512xf32, #tpu.memory_space<vmem>>) dst(%dma_wait3A_907 : memref<512xf32, #tpu.memory_space<hbm>>)
      %dma_wait3A_911 = arith.constant 14 : i32
      %dma_wait3A_912 = arith.constant 0 : i32
      %dma_wait3A_913 = tpu.memref_slice %arg8[%dma_wait3A_911, %dma_wait3A_912] : memref<20x512xf32, #tpu.memory_space<vmem>> -> memref<1x512xf32, #tpu.memory_space<vmem>>
      %dma_wait3A_914 = tpu.memref_squeeze %dma_wait3A_913 : memref<1x512xf32, #tpu.memory_space<vmem>> -> memref<512xf32, #tpu.memory_space<vmem>>
      %dma_wait3A_915 = tpu.memref_slice %arg4[%add3A_648] : memref<16384000xf32, #tpu.memory_space<hbm>> -> memref<512xf32, #tpu.memory_space<hbm>>
      %dma_wait3A_916 = tpu.memref_slice %arg4[%add3A_648] : memref<16384000xf32, #tpu.memory_space<hbm>> -> memref<512xf32, #tpu.memory_space<hbm>>
      %dma_wait3A_917 = arith.constant 0 : i32
      %dma_wait3A_918 = tpu.memref_slice %arg8[%dma_wait3A_911, %dma_wait3A_917] : memref<20x512xf32, #tpu.memory_space<vmem>> -> memref<1x512xf32, #tpu.memory_space<vmem>>
      %dma_wait3A_919 = tpu.memref_squeeze %dma_wait3A_918 : memref<1x512xf32, #tpu.memory_space<vmem>> -> memref<512xf32, #tpu.memory_space<vmem>>
      tpu.wait_dma2 semaphore(%arg10 : memref<!tpu.dma_semaphore, #tpu.memory_space<semaphore_mem>>) src(%dma_wait3A_919 : memref<512xf32, #tpu.memory_space<vmem>>) dst(%dma_wait3A_916 : memref<512xf32, #tpu.memory_space<hbm>>)
      %dma_wait3A_920 = arith.constant 15 : i32
      %dma_wait3A_921 = arith.constant 0 : i32
      %dma_wait3A_922 = tpu.memref_slice %arg8[%dma_wait3A_920, %dma_wait3A_921] : memref<20x512xf32, #tpu.memory_space<vmem>> -> memref<1x512xf32, #tpu.memory_space<vmem>>
      %dma_wait3A_923 = tpu.memref_squeeze %dma_wait3A_922 : memref<1x512xf32, #tpu.memory_space<vmem>> -> memref<512xf32, #tpu.memory_space<vmem>>
      %dma_wait3A_924 = tpu.memref_slice %arg4[%add3A_731] : memref<16384000xf32, #tpu.memory_space<hbm>> -> memref<512xf32, #tpu.memory_space<hbm>>
      %dma_wait3A_925 = tpu.memref_slice %arg4[%add3A_731] : memref<16384000xf32, #tpu.memory_space<hbm>> -> memref<512xf32, #tpu.memory_space<hbm>>
      %dma_wait3A_926 = arith.constant 0 : i32
      %dma_wait3A_927 = tpu.memref_slice %arg8[%dma_wait3A_920, %dma_wait3A_926] : memref<20x512xf32, #tpu.memory_space<vmem>> -> memref<1x512xf32, #tpu.memory_space<vmem>>
      %dma_wait3A_928 = tpu.memref_squeeze %dma_wait3A_927 : memref<1x512xf32, #tpu.memory_space<vmem>> -> memref<512xf32, #tpu.memory_space<vmem>>
      tpu.wait_dma2 semaphore(%arg10 : memref<!tpu.dma_semaphore, #tpu.memory_space<semaphore_mem>>) src(%dma_wait3A_928 : memref<512xf32, #tpu.memory_space<vmem>>) dst(%dma_wait3A_925 : memref<512xf32, #tpu.memory_space<hbm>>)
      %dma_wait3A_929 = arith.constant 16 : i32
      %dma_wait3A_930 = arith.constant 0 : i32
      %dma_wait3A_931 = tpu.memref_slice %arg8[%dma_wait3A_929, %dma_wait3A_930] : memref<20x512xf32, #tpu.memory_space<vmem>> -> memref<1x512xf32, #tpu.memory_space<vmem>>
      %dma_wait3A_932 = tpu.memref_squeeze %dma_wait3A_931 : memref<1x512xf32, #tpu.memory_space<vmem>> -> memref<512xf32, #tpu.memory_space<vmem>>
      %dma_wait3A_933 = tpu.memref_slice %arg4[%add3A_742] : memref<16384000xf32, #tpu.memory_space<hbm>> -> memref<512xf32, #tpu.memory_space<hbm>>
      %dma_wait3A_934 = tpu.memref_slice %arg4[%add3A_742] : memref<16384000xf32, #tpu.memory_space<hbm>> -> memref<512xf32, #tpu.memory_space<hbm>>
      %dma_wait3A_935 = arith.constant 0 : i32
      %dma_wait3A_936 = tpu.memref_slice %arg8[%dma_wait3A_929, %dma_wait3A_935] : memref<20x512xf32, #tpu.memory_space<vmem>> -> memref<1x512xf32, #tpu.memory_space<vmem>>
      %dma_wait3A_937 = tpu.memref_squeeze %dma_wait3A_936 : memref<1x512xf32, #tpu.memory_space<vmem>> -> memref<512xf32, #tpu.memory_space<vmem>>
      tpu.wait_dma2 semaphore(%arg10 : memref<!tpu.dma_semaphore, #tpu.memory_space<semaphore_mem>>) src(%dma_wait3A_937 : memref<512xf32, #tpu.memory_space<vmem>>) dst(%dma_wait3A_934 : memref<512xf32, #tpu.memory_space<hbm>>)
      %dma_wait3A_938 = arith.constant 17 : i32
      %dma_wait3A_939 = arith.constant 0 : i32
      %dma_wait3A_940 = tpu.memref_slice %arg8[%dma_wait3A_938, %dma_wait3A_939] : memref<20x512xf32, #tpu.memory_space<vmem>> -> memref<1x512xf32, #tpu.memory_space<vmem>>
      %dma_wait3A_941 = tpu.memref_squeeze %dma_wait3A_940 : memref<1x512xf32, #tpu.memory_space<vmem>> -> memref<512xf32, #tpu.memory_space<vmem>>
      %dma_wait3A_942 = tpu.memref_slice %arg4[%add3A_753] : memref<16384000xf32, #tpu.memory_space<hbm>> -> memref<512xf32, #tpu.memory_space<hbm>>
      %dma_wait3A_943 = tpu.memref_slice %arg4[%add3A_753] : memref<16384000xf32, #tpu.memory_space<hbm>> -> memref<512xf32, #tpu.memory_space<hbm>>
      %dma_wait3A_944 = arith.constant 0 : i32
      %dma_wait3A_945 = tpu.memref_slice %arg8[%dma_wait3A_938, %dma_wait3A_944] : memref<20x512xf32, #tpu.memory_space<vmem>> -> memref<1x512xf32, #tpu.memory_space<vmem>>
      %dma_wait3A_946 = tpu.memref_squeeze %dma_wait3A_945 : memref<1x512xf32, #tpu.memory_space<vmem>> -> memref<512xf32, #tpu.memory_space<vmem>>
      tpu.wait_dma2 semaphore(%arg10 : memref<!tpu.dma_semaphore, #tpu.memory_space<semaphore_mem>>) src(%dma_wait3A_946 : memref<512xf32, #tpu.memory_space<vmem>>) dst(%dma_wait3A_943 : memref<512xf32, #tpu.memory_space<hbm>>)
      %dma_wait3A_947 = arith.constant 18 : i32
      %dma_wait3A_948 = arith.constant 0 : i32
      %dma_wait3A_949 = tpu.memref_slice %arg8[%dma_wait3A_947, %dma_wait3A_948] : memref<20x512xf32, #tpu.memory_space<vmem>> -> memref<1x512xf32, #tpu.memory_space<vmem>>
      %dma_wait3A_950 = tpu.memref_squeeze %dma_wait3A_949 : memref<1x512xf32, #tpu.memory_space<vmem>> -> memref<512xf32, #tpu.memory_space<vmem>>
      %dma_wait3A_951 = tpu.memref_slice %arg4[%add3A_764] : memref<16384000xf32, #tpu.memory_space<hbm>> -> memref<512xf32, #tpu.memory_space<hbm>>
      %dma_wait3A_952 = tpu.memref_slice %arg4[%add3A_764] : memref<16384000xf32, #tpu.memory_space<hbm>> -> memref<512xf32, #tpu.memory_space<hbm>>
      %dma_wait3A_953 = arith.constant 0 : i32
      %dma_wait3A_954 = tpu.memref_slice %arg8[%dma_wait3A_947, %dma_wait3A_953] : memref<20x512xf32, #tpu.memory_space<vmem>> -> memref<1x512xf32, #tpu.memory_space<vmem>>
      %dma_wait3A_955 = tpu.memref_squeeze %dma_wait3A_954 : memref<1x512xf32, #tpu.memory_space<vmem>> -> memref<512xf32, #tpu.memory_space<vmem>>
      tpu.wait_dma2 semaphore(%arg10 : memref<!tpu.dma_semaphore, #tpu.memory_space<semaphore_mem>>) src(%dma_wait3A_955 : memref<512xf32, #tpu.memory_space<vmem>>) dst(%dma_wait3A_952 : memref<512xf32, #tpu.memory_space<hbm>>)
      %dma_wait3A_956 = arith.constant 19 : i32
      %dma_wait3A_957 = arith.constant 0 : i32
      %dma_wait3A_958 = tpu.memref_slice %arg8[%dma_wait3A_956, %dma_wait3A_957] : memref<20x512xf32, #tpu.memory_space<vmem>> -> memref<1x512xf32, #tpu.memory_space<vmem>>
      %dma_wait3A_959 = tpu.memref_squeeze %dma_wait3A_958 : memref<1x512xf32, #tpu.memory_space<vmem>> -> memref<512xf32, #tpu.memory_space<vmem>>
      %dma_wait3A_960 = tpu.memref_slice %arg4[%add3A_775] : memref<16384000xf32, #tpu.memory_space<hbm>> -> memref<512xf32, #tpu.memory_space<hbm>>
      %dma_wait3A_961 = tpu.memref_slice %arg4[%add3A_775] : memref<16384000xf32, #tpu.memory_space<hbm>> -> memref<512xf32, #tpu.memory_space<hbm>>
      %dma_wait3A_962 = arith.constant 0 : i32
      %dma_wait3A_963 = tpu.memref_slice %arg8[%dma_wait3A_956, %dma_wait3A_962] : memref<20x512xf32, #tpu.memory_space<vmem>> -> memref<1x512xf32, #tpu.memory_space<vmem>>
      %dma_wait3A_964 = tpu.memref_squeeze %dma_wait3A_963 : memref<1x512xf32, #tpu.memory_space<vmem>> -> memref<512xf32, #tpu.memory_space<vmem>>
      tpu.wait_dma2 semaphore(%arg10 : memref<!tpu.dma_semaphore, #tpu.memory_space<semaphore_mem>>) src(%dma_wait3A_964 : memref<512xf32, #tpu.memory_space<vmem>>) dst(%dma_wait3A_961 : memref<512xf32, #tpu.memory_space<hbm>>)
    }
    %scan3A_5 = arith.constant 50 : i32
    return
  }
}

</mosaic_0001>

<sc_bundles>
// kernel: kernel.3.cloned.1.call-start
scs
__scs_entry_jumppad:
0x0: {  	(pc) =	sbr.rel $0x88, $3  }
0x1: {  	(tag) =	ssettag $0x0;
	lr =	simm.s32 $0x1  }
0x2: {  	[smem:$0x3F9E] =	sst lr;
	_ =	strace $0xD0000000  }
0x3: {  	_ = 	snop  }
0x4: {  	_ = 	snop  }
0x5: {  	_ = 	snop  }
0x6: {  	_ = 	snop  }
0x7: {  	_ = 	snop  }
__scs_overlays_trampoline_lowered:
0x8: {  	[smem:$0x3FAD] =	sst s0  }
0x9: {  	[smem:$0x3FAE] =	sst s1  }
0xa: {  	[smem:$0x3FAF] =	sst s2  }
0xb: {  	[smem:$0x3FB0] =	sst s3  }
0xc: {  	[smem:$0x3FB1] =	sst s4  }
0xd: {  	[smem:$0x3FB2] =	sst s5  }
0xe: {  	[smem:$0x3FB3] =	sst s6  }
0xf: {  	[smem:$0x3FB4] =	sst s7  }
0x10: {  	[smem:$0x3FB5] =	sst s8  }
0x11: {  	[smem:$0x3FB6] =	sst s9;
	s0 =	simm.s32 @!p0 $0x0  }
0x12: {  	s1 =	sld [smem:$0x3F9C];
	s0 =	simm.s32 @p0 $0x1  }
0x13: {  	[smem:$0x3FB7] =	sst s0;
	s0 =	simm.s32 @!p1 $0x0  }
0x14: {  	s2 =	sld [smem:$0x3F9B];
	s0 =	simm.s32 @p1 $0x1  }
0x15: {  	[smem:$0x3FB8] =	sst s0;
	s0 =	simm.s32 @!p2 $0x0  }
0x16: {  	s3 =	sld [smem:$0x3FDB];
	s0 =	simm.s32 @p2 $0x1  }
0x17: {  	s4 =	simm.s32 $0x1BF5;
	[smem:$0x3FBA] =	sst s0  }
0x18: {  	s0 =	sld [smem:$0x3F9D];
	_ =	swait.ge [sflag:s4], $0x0  }
0x19: {  	s7 =	sld [smem:$0x3F9E]  }
0x1a: {  	s8 =	sadd.s32 $0xFFFFE003, lr  }
0x1b: {  	s9 =	sadd.s32 $0xFFFFFEF7, lr;
	s5 =	simm.s32 $0xFFFFFFFF;
	p2 =	slt.u32 s8, $0xFFFFF086  }
0x1c: {  	p1 =	slt.u32 s9, $0xF7A;
	s5 =	simm.s32 @!p2 $0x0  }
0x1d: {  	s5 =	simm.s32 @p1 $0x1;
	p0 =	seq.s32 s7, s2  }
0x1e: {  	s7 =	smul.u32 @!p0 $0xF7A, s2;
	p2 =	seq.s32 @!p0 s5, $0x0  }
0x1f: {  	s9 =	smul.u32 $0xF7A, s1;
	s8 =	simm.s32 @!p0 $0x1BF5;
	p2 =	por !p2, p0  }
0x20: {  	[sflag:s8] =	ssyncset.s32 @!p0 $0xFFFFF086;
	s6 =	sadd.s32 @!p0 s3, s7;
	s7 =	simm.s32 @!p0 $0x108  }
0x21: {  	s3 =	sadd.s32 s3, s9;
	s6 =	sadd.s32 @!p0 $0x88, s6;
	s7 =	simm.s32 @p2 $0x1082  }
0x22: {  	[simem:s7], [sflag:s8] =	dma.local @!p0 [hbm:s6], $0xF7A  }
0x23: {  	s9 =	sor.u32 $0xD0000000, s2;
	s6 =	simm.s32 $0x108;
	_ =	swait.ge @!p0 [sflag:s8], $0x0  }
0x24: {  	s3 =	sadd.s32 $0x88, s3;
	s6 =	simm.s32 @!p1 $0x1082;
	[sflag:s4] =	ssyncset.s32 $0xFFFFF086  }
0x25: {  	[simem:s6], [sflag:s4] =	dma.local [hbm:s3], $0xF7A  }
0x26: {  	[smem:$0x3F9E] =	sst s1;
	(tag) =	ssettag s2;
	_ =	strace s9  }
0x27: {  	s1 =	sld [smem:$0x3FAE]  }
0x28: {  	s2 =	sld [smem:$0x3FAF]  }
0x29: {  	s4 =	sld [smem:$0x3FB1]  }
0x2a: {  	p0 =	seq.s32 s5, $0x0;
	s5 =	sld [smem:$0x3FB2]  }
0x2b: {  	s6 =	sld [smem:$0x3FB3]  }
0x2c: {  	s7 =	sld [smem:$0x3FB4]  }
0x2d: {  	s3 =	simm.s32 $0x108;
	s8 =	sld [smem:$0x3FB5]  }
0x2e: {  	s3 =	simm.s32 @!p0 $0x1082;
	s9 =	sld [smem:$0x3FB6]  }
0x2f: {  	lr =	sadd.s32 s0, s3;
	s0 =	sld [smem:$0x3FAD]  }
0x30: {  	s3 =	sld [smem:$0x3FB0]  }
0x31: {  	[smem:$0x3FB9] =	sst s10  }
0x32: {  	s10 =	sld [smem:$0x3FB7];
	_ =	sdelay $0x3  }
0x33: {  	p0 =	seq.s32 s10, $0x1;
	s10 =	sld [smem:$0x3FB9];
	_ =	sdelay $0x3  }
0x34: {  	[smem:$0x3FB9] =	sst s10  }
0x35: {  	s10 =	sld [smem:$0x3FB8];
	_ =	sdelay $0x3  }
0x36: {  	p1 =	seq.s32 s10, $0x1;
	s10 =	sld [smem:$0x3FB9];
	_ =	sdelay $0x3  }
0x37: {  	[smem:$0x3FB9] =	sst s10  }
0x38: {  	s10 =	sld [smem:$0x3FBA]  }
0x39: {  	_ = 	snop;
	(pc) =	sbr.ind lr, $3  }
0x3a: {  	_ = 	snop  }
0x3b: {  	_ = 	snop  }
0x3c: {  	p2 =	seq.s32 s10, $0x1;
	s10 =	sld [smem:$0x3FB9]  }
0x3d: {  	_ =	shalt  }
0x3e: {  	_ =	shalt  }
0x3f: {  	_ =	shalt  }
0x40: {  	_ =	shalt  }
0x41: {  	_ =	shalt  }
0x42: {  	_ =	shalt  }
0x43: {  	_ =	shalt  }
0x44: {  	_ =	shalt  }
0x45: {  	_ =	shalt  }
0x46: {  	_ =	shalt  }
0x47: {  	_ =	shalt  }
0x48: {  	_ =	shalt  }
0x49: {  	_ =	shalt  }
0x4a: {  	_ =	shalt  }
0x4b: {  	_ =	shalt  }
0x4c: {  	_ =	shalt  }
0x4d: {  	_ =	shalt  }
0x4e: {  	_ =	shalt  }
0x4f: {  	_ =	shalt  }
0x50: {  	_ =	shalt  }
0x51: {  	_ =	shalt  }
0x52: {  	_ =	shalt  }
0x53: {  	_ =	shalt  }
0x54: {  	_ =	shalt  }
0x55: {  	_ =	shalt  }
0x56: {  	_ =	shalt  }
0x57: {  	_ =	shalt  }
0x58: {  	_ =	shalt  }
0x59: {  	_ =	shalt  }
0x5a: {  	_ =	shalt  }
0x5b: {  	_ =	shalt  }
0x5c: {  	_ =	shalt  }
0x5d: {  	_ =	shalt  }
0x5e: {  	_ =	shalt  }
0x5f: {  	_ =	shalt  }
0x60: {  	_ =	shalt  }
0x61: {  	_ =	shalt  }
0x62: {  	_ =	shalt  }
0x63: {  	_ =	shalt  }
0x64: {  	_ =	shalt  }
0x65: {  	_ =	shalt  }
0x66: {  	_ =	shalt  }
0x67: {  	_ =	shalt  }
0x68: {  	_ =	shalt  }
0x69: {  	_ =	shalt  }
0x6a: {  	_ =	shalt  }
0x6b: {  	_ =	shalt  }
0x6c: {  	_ =	shalt  }
0x6d: {  	_ =	shalt  }
0x6e: {  	_ =	shalt  }
0x6f: {  	_ =	shalt  }
0x70: {  	_ =	shalt  }
0x71: {  	_ =	shalt  }
0x72: {  	_ =	shalt  }
0x73: {  	_ =	shalt  }
0x74: {  	_ =	shalt  }
0x75: {  	_ =	shalt  }
0x76: {  	_ =	shalt  }
0x77: {  	_ =	shalt  }
0x78: {  	_ =	shalt  }
0x79: {  	_ =	shalt  }
0x7a: {  	_ =	shalt  }
0x7b: {  	_ =	shalt  }
0x7c: {  	_ =	shalt  }
0x7d: {  	_ =	shalt  }
0x7e: {  	_ =	shalt  }
0x7f: {  	_ =	shalt  }
0x80: {  	_ =	shalt  }
0x81: {  	_ =	shalt  }
0x82: {  	_ =	shalt  }
0x83: {  	_ =	shalt  }
0x84: {  	_ =	shalt  }
0x85: {  	_ =	shalt  }
0x86: {  	_ =	shalt  }
0x87: {  	_ =	shalt  }
.Lfunc_end0:
.L_simem_size_0:
called_computation_lowered:
.L_overlay_start_0:
0x88: {  	s2 =	sld [smem:$0x3FD9]  }
0x89: {  	s3 =	sld [smem:$0x3FFE];
	_ =	sdelay $0x1  }
0x8a: {  	s1 =	srdreg.scid  }
0x8b: {  	s0 =	sand.u32 $0x1, s1  }
0x8c: {  	s17 =	sshll.u32 s0, $0xA;
	s2 =	sadd.s32 s3, s2  }
0x8d: {  	s2 =	sadd.s32 s2, s17  }
0x8e: {  	[smem:$0x3FC5] =	sst s2  }
0x8f: {  	_ = 	snop  }
0x90: {  	s2 =	sld [smem:$0x3FD0];
	(tm) =	ssettm $0x1  }
0x91: {  	s18 =	sld [smem:$0x3FFB];
	_ =	sdelay $0x3  }
0x92: {  	_ =	strace s18  }
0x93: {  	s3 =	sld [smem:$0x3FFC];
	_ =	sdelay $0x3  }
0x94: {  	_ =	strace s3  }
0x95: {  	s3 =	sld [smem:$0x3FFD];
	_ =	sdelay $0x3  }
0x96: {  	_ =	strace s3  }
0x97: {  	_ =	strace $0x8FFFFFFF  }
0x98: {  	s19 =	sld [smem:$0x3FDB];
	_ =	sdelay $0x1  }
0x99: {  	s4 =	simm.s32 $_scs_section_size  }
0x9a: {  	s5 =	simm.s32 $_size__tile_overlayer_lowered;
	s6 =	simm.s32 $_tile_overlayer_lowered  }
0x9b: {  	s22 =	simm.s32 $0x1BFF;
	s21 =	sshll.u32 s6, $0x1;
	s3 =	sadd.s32 s4, s19  }
0x9c: {  	s7 =	simm.s32 $0x0;
	s20 =	sshll.u32 s5, $0x1;
	s5 =	sadd.s32 s21, s3  }
0x9d: {  	[timem:s7], [sflag:s22] =	dma.local [hbm:s5], s20  }
0x9e: {  	_ =	swait.ge [sflag:s22], s20  }
0x9f: {  	s4 =	ssub.s32 $0x0, s20;
	[sflag:s22] =	ssyncset.done $0x0  }
0xa0: {  	[sflag:s22] =	ssyncadd.s32 s4;
	_ =	sdelay $0x1  }
0xa1: {  	s23 =	simm.s32 $0x1B8B  }
0xa2: {  	_ =	swait.ge [sflag:s23], $0x1  }
0xa3: {  	[sflag:s23] =	ssyncset.done $0x0  }
0xa4: {  	s25 =	simm.s32 $0x1B8E;
	s24 =	sld [smem:$0x3FFE];
	[sflag:s23] =	ssyncadd.s32 $0xFFFFFFFF  }
0xa5: {  	s26 =	simm.s32 $execute0_lowered;
	[smem:$0x3FD2] =	sst s25  }
0xa6: {  	s5 =	sshll.u32 s26, $0x1;
	_ =	strace $0x80000046;
	[dreg:$0x1] =	wrdreg $0xFFFFFFFF  }
0xa7: {  	s28 =	simm.s32 $_size_execute0_lowered;
	s3 =	sadd.s32 s3, s5;
	[dreg:$0x0] =	wrdreg $0x0  }
0xa8: {  	s5 =	sshll.u32 s28, $0x1;
	[dreg:$0x2] =	wrdreg s3  }
0xa9: {  	[dreg:$0x3] =	wrdreg s5  }
0xaa: {  	[dreg:$0x4] =	wrdreg $0xC0  }
0xab: {  	_ =	task [dreg:s7], $0x5FFFF  }
0xac: {  	[dreg:$0x1] =	wrdreg $0xFFFFFFFF  }
0xad: {  	[dreg:$0x0] =	wrdreg $0x60  }
0xae: {  	[dreg:$0x2] =	wrdreg s24  }
0xaf: {  	[dreg:$0x3] =	wrdreg s2  }
0xb0: {  	[dreg:$0x4] =	wrdreg $0x9  }
0xb1: {  	_ =	task.clear_ibuf [dreg:s7], $0x5FFFF;
	_ =	strace $0x90000046  }
0xb2: {  	s29 =	simm.s32 $0x9;
	_ =	strace $0x80000048  }
0xb3: {  	_ =	swait.ge [sflag:s29], $0x1  }
0xb4: {  	[sflag:s29] =	ssyncadd.s32 $0xFFFFFFFF  }
0xb5: {  	_ =	strace $0x90000048  }
0xb6: {  	_ =	sfence  }
0xb7: {  	s30 =	sld [smem:$0x0];
	_ =	sdelay $0x2  }
0xb8: {  	s31 =	sshll.u32 s1, $0xD;
	s1 =	sshrl.u32 s1, $0x2  }
0xb9: {  	s3 =	sand.u32 $0x4000, s31;
	s1 =	sadd.s32 s1, s30  }
0xba: {  	s0 =	sor.u32 s3, s0;
	s1 =	sshll.u32 s1, $0x11  }
0xbb: {  	s0 =	sor.u32 s1, s0  }
0xbc: {  	s0 =	sadd.s32 $0x8F2B, s0  }
0xbd: {  	[sflag:s0] =	ssyncadd.remote.s32 $0x1  }
0xbe: {  	_ =	sfence.sel $0xFFFF  }
0xbf: {  	[dreg:$0x0] =	wrdreg $0xFFFFFFFF;
	(pc) =	sbr.abs _section_cstart, $3  }
0xc0: {  	[dreg:$0x1] =	wrdreg $0xFFFFFFFF  }
0xc1: {  	_ =	task.clear_ibuf [dreg:s7], $0x2FFFF;
	_ =	strace $0x9FFFFFFF  }
0xc2: {  	(tm) =	ssettm $0x7FFFFFFF  }
0xc3: {  	_ =	shalt  }
tec
execute0_lowered:
.L_overlay_start_1:
0x0: {  	(tag) =	ssettag $0x1  }
0x1: {  	s0 =	rddreg [dreg:$0x0]  }
0x2: {  	s1 =	rddreg [dreg:$0x1];
	s2 =	simm.s32 $0x0  }
0x3: {  	s3 =	srdreg.scid;
	s5 =	stileid.u32;
	s9 =	simm.s32 $0x200  }
0x4: {  	s11 =	simm.s32 $0x1000;
	s20 =	simm.s32 $0x1;
	s30 =	simm.s32 $0x16000  }
0x5: {  	s31 =	simm.s32 $0x16200;
	s10 =	simm.s32 $0x16A00;
	s12 =	simm.s32 $0x16C00  }
0x6: {  	s13 =	simm.s32 $0x16E00;
	s14 =	simm.s32 $0x17000;
	s15 =	simm.s32 $0x17200  }
0x7: {  	s16 =	simm.s32 $0x17400;
	s17 =	simm.s32 $0x17600;
	s18 =	simm.s32 $0x2  }
0x8: {  	s21 =	simm.s32 $0x0;
	[smem:$0x7FF] =	sst s2;
	s3 =	sand.u32 $0x1, s3  }
0x9: {  	s4 =	sadd.s32 $0x600, s0;
	s8 =	sshll.u32 s5, $0xD;
	s6 =	ssub.s32 $0x2, s3  }
0xa: {  	v0 =	vlaneseq.u32;
	s5 =	sadd.s32 $0xF42A00, s0;
	s3 =	sshll.u32 s3, $0xC;
	s7 =	sshrl.u32 s6, $0x1  }
0xb: {  	v0 =	vmul.u32 $0x28, v0;
	_ =	strace $0x80000047;
	s29 =	ssub.s32 s6, s7;
	s6 =	sor.u32 s3, s8  }
0xc: {  	s8 =	simm.s32 $0x3;
	s3 =	simm.s32 $0x16600;
	s0 =	smax.u32 s29, $0x1  }
0xd: {  	v1 =	vor.u32 $0x5000, v0;
	v2 =	vor.u32 $0xA000, v0;
	v3 =	vor.u32 $0xF000, v0;
	s7 =	simm.s32 $0x16800;
	[dreg:$0x3] =	wrdreg s0;
	s0 =	simm.s32 $0x16400  }
.LBB2_1:
0xe: {  	[dreg:$0x4] =	wrdreg s21;
	s19 =	simm.s32 $0x0  }
.LBB2_2:
0xf: {  	s21 =	sshll.u32 s19, $0xB  }
0x10: {  	s22 =	sshll.u32 s19, $0x10;
	s21 =	sand.u32 $0x800, s21  }
0x11: {  	s22 =	sand.u32 $0x3E0000, s22;
	s21 =	sor.u32 s6, s21  }
0x12: {  	s21 =	sor.u32 s22, s21  }
0x13: {  	s23 =	sshrl.u32 s21, $0x3  }
0x14: {  	s29 =	simm.s32 $0x0;
	s21 =	sadd.s32 s4, s23  }
0x15: {  	[tilespmem:s29], [sflag:$0x3] =	stream.linear.gather [hbm4b:s21+s29], $0x200, $0x38;
	[tilespmem:$0x17800] =	vst v63  }
0x16: {  	_ =	swait.ge [sflag:s8], $0x200  }
0x17: {  	[sflag:s8] =	ssyncset.done $0x0  }
0x18: {  	s21 =	simm.s32 $0x0;
	[sflag:s8] =	ssyncadd.s32 $0xFFFFFE00  }
0x19: {  	s22 =	simm.s32 $0x40;
	v4 =	vld [tilespmem:s21+$0x0]  }
.LBB2_3:
0x1a: {  	p0 =	sne.s32 s22, $0x7C0  }
.Ltmp0:
0x1b: {  	_ = 	snop;
	(pc) =	sbr.rel @p0 .LBB2_3-.Ltmp0, $3  }
0x1c: {  	_ =	sdelay $0x1  }
0x1d: {  	s24 =	sshra.s32 s22, $0x2;
	s22 =	sadd.s32 $0x40, s22;
	v5 =	vshrl.u32 v4, $0x3  }
0x1e: {  	v4 =	vld [tilespmem:s24+$0x0];
	[tilespmem:s21+$0x800] =	vst v5;
	s21 =	smov.u32 s24  }
0x1f: {  	_ =	sdelay $0x3  }
0x20: {  	v4 =	vshrl.u32 v4, $0x3  }
0x21: {  	s28 =	simm.s32 $0x800;
	s24 =	sor.u32 $0x40, s23;
	[tilespmem:s21+$0x800] =	vst v4  }
0x22: {  	[tilespmem:s11], [sflag:$0x1] =	stream.indirect.gather [hbm4b:s5+s9], $0x28, s28, s9, $0xb8;
	[tilespmem:$0x17800] =	vst v63  }
0x23: {  	s22 =	simm.s32 $0x0;
	s29 =	sadd.s32 s4, s24  }
0x24: {  	[tilespmem:s9], [sflag:$0x3] =	stream.linear.gather [hbm4b:s29+s22], $0x200, $0x38;
	[tilespmem:$0x17800] =	vst v63  }
0x25: {  	_ =	swait.ge [sflag:s8], $0x200  }
0x26: {  	[sflag:s8] =	ssyncset.done $0x0  }
0x27: {  	s21 =	simm.s32 $0x0;
	[sflag:s8] =	ssyncadd.s32 $0xFFFFFE00  }
0x28: {  	s22 =	simm.s32 $0x40;
	v4 =	vld [tilespmem:s21+$0x200]  }
.LBB2_5:
0x29: {  	p0 =	sne.s32 s22, $0x7C0  }
.Ltmp1:
0x2a: {  	_ = 	snop;
	(pc) =	sbr.rel @p0 .LBB2_5-.Ltmp1, $3  }
0x2b: {  	_ =	sdelay $0x1  }
0x2c: {  	s25 =	sshra.s32 s22, $0x2;
	s22 =	sadd.s32 $0x40, s22;
	v5 =	vshrl.u32 v4, $0x3  }
0x2d: {  	v4 =	vld [tilespmem:s25+$0x200];
	[tilespmem:s21+$0xA00] =	vst v5;
	s21 =	smov.u32 s25  }
0x2e: {  	_ =	sdelay $0x3  }
0x2f: {  	v4 =	vshrl.u32 v4, $0x3  }
0x30: {  	s28 =	simm.s32 $0xA00;
	s22 =	simm.s32 $0x6000;
	[tilespmem:s21+$0xA00] =	vst v4  }
0x31: {  	[tilespmem:s22], [sflag:$0x1] =	stream.indirect.gather [hbm4b:s5+s9], $0x28, s28, s9, $0xb8;
	[tilespmem:$0x17800] =	vst v63  }
0x32: {  	s22 =	sor.u32 $0x80, s23  }
0x33: {  	s25 =	simm.s32 $0x0;
	s26 =	simm.s32 $0x400;
	s29 =	sadd.s32 s4, s22  }
0x34: {  	[tilespmem:s26], [sflag:$0x3] =	stream.linear.gather [hbm4b:s29+s25], $0x200, $0x38;
	[tilespmem:$0x17800] =	vst v63  }
0x35: {  	_ =	swait.ge [sflag:s8], $0x200  }
0x36: {  	[sflag:s8] =	ssyncset.done $0x0  }
0x37: {  	s21 =	simm.s32 $0x0;
	[sflag:s8] =	ssyncadd.s32 $0xFFFFFE00  }
0x38: {  	s25 =	simm.s32 $0x40;
	v4 =	vld [tilespmem:s21+$0x400]  }
.LBB2_7:
0x39: {  	p0 =	sne.s32 s25, $0x7C0  }
.Ltmp2:
0x3a: {  	_ = 	snop;
	(pc) =	sbr.rel @p0 .LBB2_7-.Ltmp2, $3  }
0x3b: {  	_ =	sdelay $0x1  }
0x3c: {  	s26 =	sshra.s32 s25, $0x2;
	s25 =	sadd.s32 $0x40, s25;
	v5 =	vshrl.u32 v4, $0x3  }
0x3d: {  	v4 =	vld [tilespmem:s26+$0x400];
	[tilespmem:s21+$0xC00] =	vst v5;
	s21 =	smov.u32 s26  }
0x3e: {  	_ =	sdelay $0x3  }
0x3f: {  	v4 =	vshrl.u32 v4, $0x3  }
0x40: {  	s28 =	simm.s32 $0xC00;
	s25 =	simm.s32 $0xB000;
	[tilespmem:s21+$0xC00] =	vst v4;
	s21 =	sor.u32 $0xC0, s23  }
0x41: {  	[tilespmem:s25], [sflag:$0x1] =	stream.indirect.gather [hbm4b:s5+s9], $0x28, s28, s9, $0xb8;
	[tilespmem:$0x17800] =	vst v63  }
0x42: {  	s26 =	simm.s32 $0x0;
	s29 =	sadd.s32 s4, s21;
	s28 =	simm.s32 $0x600  }
0x43: {  	[tilespmem:s28], [sflag:$0x3] =	stream.linear.gather [hbm4b:s29+s26], $0x200, $0x38;
	[tilespmem:$0x17800] =	vst v63  }
0x44: {  	_ =	swait.ge [sflag:s8], $0x200  }
0x45: {  	[sflag:s8] =	ssyncset.done $0x0  }
0x46: {  	s25 =	simm.s32 $0x0;
	[sflag:s8] =	ssyncadd.s32 $0xFFFFFE00  }
0x47: {  	s26 =	simm.s32 $0x40;
	v4 =	vld [tilespmem:s25+$0x600]  }
.LBB2_9:
0x48: {  	p0 =	sne.s32 s26, $0x7C0  }
.Ltmp3:
0x49: {  	_ = 	snop;
	(pc) =	sbr.rel @p0 .LBB2_9-.Ltmp3, $3  }
0x4a: {  	_ =	sdelay $0x1  }
0x4b: {  	s28 =	sshra.s32 s26, $0x2;
	s26 =	sadd.s32 $0x40, s26;
	v5 =	vshrl.u32 v4, $0x3  }
0x4c: {  	v4 =	vld [tilespmem:s28+$0x600];
	[tilespmem:s25+$0xE00] =	vst v5;
	s25 =	smov.u32 s28  }
0x4d: {  	_ =	sdelay $0x3  }
0x4e: {  	v4 =	vshrl.u32 v4, $0x3  }
0x4f: {  	s29 =	simm.s32 $0xE00;
	s26 =	simm.s32 $0x10000;
	[tilespmem:s25+$0xE00] =	vst v4  }
0x50: {  	[tilespmem:s26], [sflag:$0x1] =	stream.indirect.gather [hbm4b:s5+s9], $0x28, s29, s9, $0xb8;
	[tilespmem:$0x17800] =	vst v63  }
0x51: {  	_ =	swait.ge [sflag:s20], $0x5000  }
0x52: {  	[sflag:s20] =	ssyncset.done $0x0  }
0x53: {  	s25 =	simm.s32 $0x0;
	[sflag:s20] =	ssyncadd.s32 $0xFFFFB000  }
0x54: {  	v4 =	vld [tilespmem:s25+$0x0];
	_ =	sdelay $0x2  }
0x55: {  	v5 =	vmov s25  }
0x56: {  	v5 =	vmul.u32 $0x28, v5  }
0x57: {  	v4 =	vand.u32 $0x7, v4  }
0x58: {  	v5 =	vbroadcast v5, $0x0;
	v4 =	vmul.u32 $0x5, v4;
	_ =	sdelay $0x1  }
0x59: {  	v5 =	vadd.s32 v0, v5;
	v6 =	vand.u32 $0x38, v4  }
0x5a: {  	v7 =	vand.u32 $0x7, v4;
	v6 =	vadd.s32 v5, v6  }
0x5b: {  	v6 =	vor.u32 v7, v6;
	_ =	sdelay $0x2  }
0x5c: {  	v7 =	vadd.s32 $0x1, v4  }
0x5d: {  	v8 =	vand.u32 $0x78, v7  }
0x5e: {  	v7 =	vand.u32 $0x7, v7;
	v8 =	vadd.s32 v5, v8;
	v6 =	vld.idx.msk [tilespmem:v6+s11+$0x0], $0xffff  }
0x5f: {  	v7 =	vor.u32 v7, v8;
	_ =	sdelay $0x2  }
0x60: {  	s26 =	simm.s32 $0x15400;
	v60 =	vadd.s32 $0x2, v4  }
0x61: {  	v9 =	vand.u32 $0x78, v60;
	[tilespmem:s26+$0xFFFFFC00] =	vst v6  }
0x62: {  	v8 =	vand.u32 $0x7, v60;
	v6 =	vadd.s32 v5, v9;
	v7 =	vld.idx.msk [tilespmem:v7+s11+$0x0], $0xffff  }
0x63: {  	v6 =	vor.u32 v8, v6;
	_ =	sdelay $0x2  }
0x64: {  	v61 =	vadd.s32 $0x3, v4  }
0x65: {  	v62 =	vand.u32 $0x78, v61;
	[tilespmem:s26+$0xFFFFFE00] =	vst v7  }
0x66: {  	v8 =	vand.u32 $0x7, v61;
	v7 =	vadd.s32 v5, v62;
	v6 =	vld.idx.msk [tilespmem:v6+s11+$0x0], $0xffff  }
0x67: {  	v7 =	vor.u32 v8, v7;
	_ =	sdelay $0x2  }
0x68: {  	v4 =	vadd.s32 $0x4, v4  }
0x69: {  	v63 =	vand.u32 $0x78, v4;
	[tilespmem:s26+$0x0] =	vst v6  }
0x6a: {  	v4 =	vand.u32 $0x7, v4;
	v5 =	vadd.s32 v5, v63;
	v6 =	vld.idx.msk [tilespmem:v7+s11+$0x0], $0xffff  }
0x6b: {  	v4 =	vor.u32 v4, v5;
	_ =	sdelay $0x3  }
0x6c: {  	[tilespmem:s26+$0x200] =	vst v6  }
0x6d: {  	s28 =	simm.s32 $0x10;
	v4 =	vld.idx.msk [tilespmem:v4+s11+$0x0], $0xffff  }
.LBB2_11:
0x6e: {  	_ =	sdelay $0x3  }
0x6f: {  	p0 =	sne.s32 s28, $0x1F0;
	s25 =	sadd.s32 $0x10, s25;
	[tilespmem:s26+$0x400] =	vst v4;
	s26 =	sadd.s32 $0x10, s26  }
0x70: {  	s29 =	smov.u32 s28;
	s28 =	sadd.s32 $0x10, s28;
	v4 =	vld [tilespmem:s25+$0x0];
	_ =	sdelay $0x2  }
0x71: {  	v5 =	vmov s29  }
0x72: {  	v5 =	vmul.u32 $0x28, v5  }
0x73: {  	v4 =	vand.u32 $0x7, v4  }
0x74: {  	v5 =	vbroadcast v5, $0x0;
	v4 =	vmul.u32 $0x5, v4;
	_ =	sdelay $0x1  }
0x75: {  	v5 =	vadd.s32 v0, v5;
	v6 =	vand.u32 $0x38, v4;
	v7 =	vadd.s32 $0x1, v4  }
0x76: {  	v8 =	vand.u32 $0x7, v4;
	v6 =	vadd.s32 v5, v6;
	v9 =	vand.u32 $0x78, v7  }
0x77: {  	v6 =	vor.u32 v8, v6;
	v8 =	vadd.s32 v5, v9;
	v9 =	vadd.s32 $0x2, v4  }
0x78: {  	v11 =	vadd.s32 $0x3, v4;
	v4 =	vadd.s32 $0x4, v4;
	v10 =	vand.u32 $0x78, v9  }
0x79: {  	v12 =	vand.u32 $0x78, v11;
	v13 =	vand.u32 $0x78, v4;
	v10 =	vadd.s32 v5, v10  }
0x7a: {  	v12 =	vadd.s32 v5, v12;
	v5 =	vadd.s32 v5, v13;
	_ =	sdelay $0x1  }
0x7b: {  	v6 =	vld.idx.msk [tilespmem:v6+s11+$0x0], $0xffff  }
0x7c: {  	v7 =	vand.u32 $0x7, v7  }
0x7d: {  	v7 =	vor.u32 v7, v8;
	_ =	sdelay $0x3  }
0x7e: {  	[tilespmem:s26+$0xFFFFFC00] =	vst v6  }
0x7f: {  	v6 =	vld.idx.msk [tilespmem:v7+s11+$0x0], $0xffff  }
0x80: {  	v7 =	vand.u32 $0x7, v9  }
0x81: {  	v7 =	vor.u32 v7, v10;
	_ =	sdelay $0x3  }
0x82: {  	[tilespmem:s26+$0xFFFFFE00] =	vst v6  }
0x83: {  	v6 =	vld.idx.msk [tilespmem:v7+s11+$0x0], $0xffff  }
0x84: {  	v7 =	vand.u32 $0x7, v11  }
0x85: {  	v7 =	vor.u32 v7, v12;
	_ =	sdelay $0x3  }
0x86: {  	[tilespmem:s26+$0x0] =	vst v6  }
0x87: {  	v6 =	vld.idx.msk [tilespmem:v7+s11+$0x0], $0xffff  }
0x88: {  	v4 =	vand.u32 $0x7, v4  }
0x89: {  	v4 =	vor.u32 v4, v5  }
.Ltmp4:
0x8a: {  	(pc) =	sbr.rel @p0 .LBB2_11-.Ltmp4, $3  }
0x8b: {  	_ =	sdelay $0x1  }
0x8c: {  	[tilespmem:s26+$0x200] =	vst v6  }
0x8d: {  	v4 =	vld.idx.msk [tilespmem:v4+s11+$0x0], $0xffff  }
0x8e: {  	_ =	sdelay $0x3  }
0x8f: {  	s23 =	sadd.s32 s1, s23;
	s25 =	simm.s32 $0x15000;
	[tilespmem:s26+$0x400] =	vst v4;
	s26 =	simm.s32 $0x0  }
0x90: {  	[hbm4b:s23+s26] =	stream.linear.scatter [tilespmem:s25], [sflag:$0x2], $0x200, $0x38;
	[tilespmem:$0x17800] =	vst v63  }
0x91: {  	s28 =	simm.s32 $0x15200;
	s29 =	sadd.s32 $0x64000, s23  }
0x92: {  	[hbm4b:s29+s26] =	stream.linear.scatter [tilespmem:s28], [sflag:$0x2], $0x200, $0x38;
	[tilespmem:$0x17800] =	vst v63  }
0x93: {  	s29 =	sadd.s32 $0xC8000, s23;
	s28 =	simm.s32 $0x15400  }
0x94: {  	[hbm4b:s29+s26] =	stream.linear.scatter [tilespmem:s28], [sflag:$0x2], $0x200, $0x38;
	[tilespmem:$0x17800] =	vst v63  }
0x95: {  	s29 =	sadd.s32 $0x12C000, s23;
	s28 =	simm.s32 $0x15600  }
0x96: {  	[hbm4b:s29+s26] =	stream.linear.scatter [tilespmem:s28], [sflag:$0x2], $0x200, $0x38;
	[tilespmem:$0x17800] =	vst v63  }
0x97: {  	s29 =	sadd.s32 $0x190000, s23;
	s28 =	simm.s32 $0x15800  }
0x98: {  	[hbm4b:s29+s26] =	stream.linear.scatter [tilespmem:s28], [sflag:$0x2], $0x200, $0x38;
	[tilespmem:$0x17800] =	vst v63  }
0x99: {  	_ =	swait.ge [sflag:s20], $0x5000  }
0x9a: {  	[sflag:s20] =	ssyncset.done $0x0  }
0x9b: {  	s25 =	simm.s32 $0x200;
	[sflag:s20] =	ssyncadd.s32 $0xFFFFB000  }
0x9c: {  	v4 =	vld [tilespmem:s25+$0x0];
	_ =	sdelay $0x2  }
0x9d: {  	v5 =	vmov s26  }
0x9e: {  	v5 =	vmul.u32 $0x28, v5  }
0x9f: {  	v4 =	vand.u32 $0x7, v4  }
0xa0: {  	v5 =	vbroadcast v5, $0x0;
	v4 =	vmul.u32 $0x5, v4;
	_ =	sdelay $0x1  }
0xa1: {  	v5 =	vadd.s32 v1, v5;
	v6 =	vand.u32 $0x38, v4  }
0xa2: {  	v7 =	vand.u32 $0x7, v4;
	v6 =	vadd.s32 v5, v6  }
0xa3: {  	v6 =	vor.u32 v7, v6;
	_ =	sdelay $0x2  }
0xa4: {  	v7 =	vadd.s32 $0x1, v4  }
0xa5: {  	v8 =	vand.u32 $0x78, v7  }
0xa6: {  	v7 =	vand.u32 $0x7, v7;
	v8 =	vadd.s32 v5, v8;
	v6 =	vld.idx.msk [tilespmem:v6+s11+$0x0], $0xffff  }
0xa7: {  	v7 =	vor.u32 v7, v8;
	_ =	sdelay $0x2  }
0xa8: {  	s26 =	simm.s32 $0x16200;
	v60 =	vadd.s32 $0x2, v4  }
0xa9: {  	v9 =	vand.u32 $0x78, v60;
	[tilespmem:s26+$0xFFFFF800] =	vst v6  }
0xaa: {  	v8 =	vand.u32 $0x7, v60;
	v6 =	vadd.s32 v5, v9;
	v7 =	vld.idx.msk [tilespmem:v7+s11+$0x0], $0xffff  }
0xab: {  	v6 =	vor.u32 v8, v6;
	_ =	sdelay $0x2  }
0xac: {  	v61 =	vadd.s32 $0x3, v4  }
0xad: {  	v62 =	vand.u32 $0x78, v61;
	[tilespmem:s26+$0xFFFFFA00] =	vst v7  }
0xae: {  	v8 =	vand.u32 $0x7, v61;
	v7 =	vadd.s32 v5, v62;
	v6 =	vld.idx.msk [tilespmem:v6+s11+$0x0], $0xffff  }
0xaf: {  	v7 =	vor.u32 v8, v7;
	_ =	sdelay $0x2  }
0xb0: {  	v4 =	vadd.s32 $0x4, v4  }
0xb1: {  	v63 =	vand.u32 $0x78, v4;
	[tilespmem:s26+$0xFFFFFC00] =	vst v6  }
0xb2: {  	v4 =	vand.u32 $0x7, v4;
	v5 =	vadd.s32 v5, v63;
	v6 =	vld.idx.msk [tilespmem:v7+s11+$0x0], $0xffff  }
0xb3: {  	v4 =	vor.u32 v4, v5;
	_ =	sdelay $0x3  }
0xb4: {  	[tilespmem:s26+$0xFFFFFE00] =	vst v6  }
0xb5: {  	s28 =	simm.s32 $0x10;
	v4 =	vld.idx.msk [tilespmem:v4+s11+$0x0], $0xffff  }
.LBB2_13:
0xb6: {  	_ =	sdelay $0x3  }
0xb7: {  	p0 =	sne.s32 s28, $0x1F0;
	s25 =	sadd.s32 $0x10, s25;
	[tilespmem:s26+$0x0] =	vst v4;
	s26 =	sadd.s32 $0x10, s26  }
0xb8: {  	s29 =	smov.u32 s28;
	s28 =	sadd.s32 $0x10, s28;
	v4 =	vld [tilespmem:s25+$0x0];
	_ =	sdelay $0x2  }
0xb9: {  	v5 =	vmov s29  }
0xba: {  	v5 =	vmul.u32 $0x28, v5  }
0xbb: {  	v4 =	vand.u32 $0x7, v4  }
0xbc: {  	v5 =	vbroadcast v5, $0x0;
	v4 =	vmul.u32 $0x5, v4;
	_ =	sdelay $0x1  }
0xbd: {  	v5 =	vadd.s32 v1, v5;
	v6 =	vand.u32 $0x38, v4;
	v7 =	vadd.s32 $0x1, v4  }
0xbe: {  	v8 =	vand.u32 $0x7, v4;
	v6 =	vadd.s32 v5, v6;
	v9 =	vand.u32 $0x78, v7  }
0xbf: {  	v6 =	vor.u32 v8, v6;
	v8 =	vadd.s32 v5, v9;
	v9 =	vadd.s32 $0x2, v4  }
0xc0: {  	v11 =	vadd.s32 $0x3, v4;
	v4 =	vadd.s32 $0x4, v4;
	v10 =	vand.u32 $0x78, v9  }
0xc1: {  	v12 =	vand.u32 $0x78, v11;
	v13 =	vand.u32 $0x78, v4;
	v10 =	vadd.s32 v5, v10  }
0xc2: {  	v12 =	vadd.s32 v5, v12;
	v5 =	vadd.s32 v5, v13;
	_ =	sdelay $0x1  }
0xc3: {  	v6 =	vld.idx.msk [tilespmem:v6+s11+$0x0], $0xffff  }
0xc4: {  	v7 =	vand.u32 $0x7, v7  }
0xc5: {  	v7 =	vor.u32 v7, v8;
	_ =	sdelay $0x3  }
0xc6: {  	[tilespmem:s26+$0xFFFFF800] =	vst v6  }
0xc7: {  	v6 =	vld.idx.msk [tilespmem:v7+s11+$0x0], $0xffff  }
0xc8: {  	v7 =	vand.u32 $0x7, v9  }
0xc9: {  	v7 =	vor.u32 v7, v10;
	_ =	sdelay $0x3  }
0xca: {  	[tilespmem:s26+$0xFFFFFA00] =	vst v6  }
0xcb: {  	v6 =	vld.idx.msk [tilespmem:v7+s11+$0x0], $0xffff  }
0xcc: {  	v7 =	vand.u32 $0x7, v11  }
0xcd: {  	v7 =	vor.u32 v7, v12;
	_ =	sdelay $0x3  }
0xce: {  	[tilespmem:s26+$0xFFFFFC00] =	vst v6  }
0xcf: {  	v6 =	vld.idx.msk [tilespmem:v7+s11+$0x0], $0xffff  }
0xd0: {  	v4 =	vand.u32 $0x7, v4  }
0xd1: {  	v4 =	vor.u32 v4, v5  }
.Ltmp5:
0xd2: {  	(pc) =	sbr.rel @p0 .LBB2_13-.Ltmp5, $3  }
0xd3: {  	_ =	sdelay $0x1  }
0xd4: {  	[tilespmem:s26+$0xFFFFFE00] =	vst v6  }
0xd5: {  	v4 =	vld.idx.msk [tilespmem:v4+s11+$0x0], $0xffff  }
0xd6: {  	_ =	sdelay $0x3  }
0xd7: {  	s24 =	sadd.s32 s1, s24;
	s25 =	simm.s32 $0x0;
	s29 =	simm.s32 $0x15A00;
	[tilespmem:s26+$0x0] =	vst v4  }
0xd8: {  	[hbm4b:s24+s25] =	stream.linear.scatter [tilespmem:s29], [sflag:$0x2], $0x200, $0x38;
	[tilespmem:$0x17800] =	vst v63  }
0xd9: {  	s28 =	sadd.s32 $0x64040, s23;
	s29 =	simm.s32 $0x15C00  }
0xda: {  	[hbm4b:s28+s25] =	stream.linear.scatter [tilespmem:s29], [sflag:$0x2], $0x200, $0x38;
	[tilespmem:$0x17800] =	vst v63  }
0xdb: {  	s28 =	sadd.s32 $0xC8040, s23;
	s29 =	simm.s32 $0x15E00  }
0xdc: {  	[hbm4b:s28+s25] =	stream.linear.scatter [tilespmem:s29], [sflag:$0x2], $0x200, $0x38;
	[tilespmem:$0x17800] =	vst v63  }
0xdd: {  	s28 =	sadd.s32 $0x12C040, s23  }
0xde: {  	[hbm4b:s28+s25] =	stream.linear.scatter [tilespmem:s30], [sflag:$0x2], $0x200, $0x38;
	[tilespmem:$0x17800] =	vst v63  }
0xdf: {  	s29 =	sadd.s32 $0x190040, s23  }
0xe0: {  	[hbm4b:s29+s25] =	stream.linear.scatter [tilespmem:s31], [sflag:$0x2], $0x200, $0x38;
	[tilespmem:$0x17800] =	vst v63  }
0xe1: {  	_ =	swait.ge [sflag:s20], $0x5000  }
0xe2: {  	[sflag:s20] =	ssyncset.done $0x0  }
0xe3: {  	s24 =	simm.s32 $0x400;
	[sflag:s20] =	ssyncadd.s32 $0xFFFFB000  }
0xe4: {  	v4 =	vld [tilespmem:s24+$0x0];
	_ =	sdelay $0x2  }
0xe5: {  	v5 =	vmov s25  }
0xe6: {  	v5 =	vmul.u32 $0x28, v5  }
0xe7: {  	v4 =	vand.u32 $0x7, v4  }
0xe8: {  	v5 =	vbroadcast v5, $0x0;
	v4 =	vmul.u32 $0x5, v4;
	_ =	sdelay $0x1  }
0xe9: {  	v5 =	vadd.s32 v2, v5;
	v6 =	vand.u32 $0x38, v4  }
0xea: {  	v7 =	vand.u32 $0x7, v4;
	v6 =	vadd.s32 v5, v6  }
0xeb: {  	v6 =	vor.u32 v7, v6;
	_ =	sdelay $0x2  }
0xec: {  	v7 =	vadd.s32 $0x1, v4  }
0xed: {  	v8 =	vand.u32 $0x78, v7  }
0xee: {  	v7 =	vand.u32 $0x7, v7;
	v8 =	vadd.s32 v5, v8;
	v6 =	vld.idx.msk [tilespmem:v6+s11+$0x0], $0xffff  }
0xef: {  	v7 =	vor.u32 v7, v8;
	_ =	sdelay $0x2  }
0xf0: {  	s25 =	simm.s32 $0x16C00;
	v60 =	vadd.s32 $0x2, v4  }
0xf1: {  	v9 =	vand.u32 $0x78, v60;
	[tilespmem:s25+$0xFFFFF800] =	vst v6  }
0xf2: {  	v8 =	vand.u32 $0x7, v60;
	v6 =	vadd.s32 v5, v9;
	v7 =	vld.idx.msk [tilespmem:v7+s11+$0x0], $0xffff  }
0xf3: {  	v6 =	vor.u32 v8, v6;
	_ =	sdelay $0x2  }
0xf4: {  	v61 =	vadd.s32 $0x3, v4  }
0xf5: {  	v62 =	vand.u32 $0x78, v61;
	[tilespmem:s25+$0xFFFFFA00] =	vst v7  }
0xf6: {  	v8 =	vand.u32 $0x7, v61;
	v7 =	vadd.s32 v5, v62;
	v6 =	vld.idx.msk [tilespmem:v6+s11+$0x0], $0xffff  }
0xf7: {  	v7 =	vor.u32 v8, v7;
	_ =	sdelay $0x2  }
0xf8: {  	v4 =	vadd.s32 $0x4, v4  }
0xf9: {  	v63 =	vand.u32 $0x78, v4;
	[tilespmem:s25+$0xFFFFFC00] =	vst v6  }
0xfa: {  	v4 =	vand.u32 $0x7, v4;
	v5 =	vadd.s32 v5, v63;
	v6 =	vld.idx.msk [tilespmem:v7+s11+$0x0], $0xffff  }
0xfb: {  	v4 =	vor.u32 v4, v5;
	_ =	sdelay $0x3  }
0xfc: {  	[tilespmem:s25+$0xFFFFFE00] =	vst v6  }
0xfd: {  	s26 =	simm.s32 $0x10;
	v4 =	vld.idx.msk [tilespmem:v4+s11+$0x0], $0xffff  }
.LBB2_15:
0xfe: {  	_ =	sdelay $0x3  }
0xff: {  	p0 =	sne.s32 s26, $0x1F0;
	s24 =	sadd.s32 $0x10, s24;
	[tilespmem:s25+$0x0] =	vst v4;
	s25 =	sadd.s32 $0x10, s25  }
0x100: {  	s28 =	smov.u32 s26;
	s26 =	sadd.s32 $0x10, s26;
	v4 =	vld [tilespmem:s24+$0x0];
	_ =	sdelay $0x2  }
0x101: {  	v5 =	vmov s28  }
0x102: {  	v5 =	vmul.u32 $0x28, v5  }
0x103: {  	v4 =	vand.u32 $0x7, v4  }
0x104: {  	v5 =	vbroadcast v5, $0x0;
	v4 =	vmul.u32 $0x5, v4;
	_ =	sdelay $0x1  }
0x105: {  	v5 =	vadd.s32 v2, v5;
	v6 =	vand.u32 $0x38, v4;
	v7 =	vadd.s32 $0x1, v4  }
0x106: {  	v8 =	vand.u32 $0x7, v4;
	v6 =	vadd.s32 v5, v6;
	v9 =	vand.u32 $0x78, v7  }
0x107: {  	v6 =	vor.u32 v8, v6;
	v8 =	vadd.s32 v5, v9;
	v9 =	vadd.s32 $0x2, v4  }
0x108: {  	v11 =	vadd.s32 $0x3, v4;
	v4 =	vadd.s32 $0x4, v4;
	v10 =	vand.u32 $0x78, v9  }
0x109: {  	v12 =	vand.u32 $0x78, v11;
	v13 =	vand.u32 $0x78, v4;
	v10 =	vadd.s32 v5, v10  }
0x10a: {  	v12 =	vadd.s32 v5, v12;
	v5 =	vadd.s32 v5, v13;
	_ =	sdelay $0x1  }
0x10b: {  	v6 =	vld.idx.msk [tilespmem:v6+s11+$0x0], $0xffff  }
0x10c: {  	v7 =	vand.u32 $0x7, v7  }
0x10d: {  	v7 =	vor.u32 v7, v8;
	_ =	sdelay $0x3  }
0x10e: {  	[tilespmem:s25+$0xFFFFF800] =	vst v6  }
0x10f: {  	v6 =	vld.idx.msk [tilespmem:v7+s11+$0x0], $0xffff  }
0x110: {  	v7 =	vand.u32 $0x7, v9  }
0x111: {  	v7 =	vor.u32 v7, v10;
	_ =	sdelay $0x3  }
0x112: {  	[tilespmem:s25+$0xFFFFFA00] =	vst v6  }
0x113: {  	v6 =	vld.idx.msk [tilespmem:v7+s11+$0x0], $0xffff  }
0x114: {  	v7 =	vand.u32 $0x7, v11  }
0x115: {  	v7 =	vor.u32 v7, v12;
	_ =	sdelay $0x3  }
0x116: {  	[tilespmem:s25+$0xFFFFFC00] =	vst v6  }
0x117: {  	v6 =	vld.idx.msk [tilespmem:v7+s11+$0x0], $0xffff  }
0x118: {  	v4 =	vand.u32 $0x7, v4  }
0x119: {  	v4 =	vor.u32 v4, v5  }
.Ltmp6:
0x11a: {  	(pc) =	sbr.rel @p0 .LBB2_15-.Ltmp6, $3  }
0x11b: {  	_ =	sdelay $0x1  }
0x11c: {  	[tilespmem:s25+$0xFFFFFE00] =	vst v6  }
0x11d: {  	v4 =	vld.idx.msk [tilespmem:v4+s11+$0x0], $0xffff  }
0x11e: {  	_ =	sdelay $0x3  }
0x11f: {  	s22 =	sadd.s32 s1, s22;
	s24 =	simm.s32 $0x0;
	[tilespmem:s25+$0x0] =	vst v4  }
0x120: {  	[hbm4b:s22+s24] =	stream.linear.scatter [tilespmem:s0], [sflag:$0x2], $0x200, $0x38;
	[tilespmem:$0x17800] =	vst v63  }
0x121: {  	s25 =	sadd.s32 $0x64080, s23  }
0x122: {  	[hbm4b:s25+s24] =	stream.linear.scatter [tilespmem:s3], [sflag:$0x2], $0x200, $0x38;
	[tilespmem:$0x17800] =	vst v63  }
0x123: {  	s26 =	sadd.s32 $0xC8080, s23  }
0x124: {  	[hbm4b:s26+s24] =	stream.linear.scatter [tilespmem:s7], [sflag:$0x2], $0x200, $0x38;
	[tilespmem:$0x17800] =	vst v63  }
0x125: {  	s28 =	sadd.s32 $0x12C080, s23  }
0x126: {  	[hbm4b:s28+s24] =	stream.linear.scatter [tilespmem:s10], [sflag:$0x2], $0x200, $0x38;
	[tilespmem:$0x17800] =	vst v63  }
0x127: {  	s29 =	sadd.s32 $0x190080, s23  }
0x128: {  	[hbm4b:s29+s24] =	stream.linear.scatter [tilespmem:s12], [sflag:$0x2], $0x200, $0x38;
	[tilespmem:$0x17800] =	vst v63  }
0x129: {  	_ =	swait.ge [sflag:s20], $0x5000  }
0x12a: {  	[sflag:s20] =	ssyncset.done $0x0  }
0x12b: {  	s22 =	simm.s32 $0x600;
	[sflag:s20] =	ssyncadd.s32 $0xFFFFB000  }
0x12c: {  	v4 =	vld [tilespmem:s22+$0x0];
	_ =	sdelay $0x2  }
0x12d: {  	v5 =	vmov s24  }
0x12e: {  	v5 =	vmul.u32 $0x28, v5  }
0x12f: {  	v4 =	vand.u32 $0x7, v4  }
0x130: {  	v5 =	vbroadcast v5, $0x0;
	v4 =	vmul.u32 $0x5, v4;
	_ =	sdelay $0x1  }
0x131: {  	v5 =	vadd.s32 v3, v5;
	v6 =	vand.u32 $0x38, v4  }
0x132: {  	v7 =	vand.u32 $0x7, v4;
	v6 =	vadd.s32 v5, v6  }
0x133: {  	v6 =	vor.u32 v7, v6;
	_ =	sdelay $0x2  }
0x134: {  	v7 =	vadd.s32 $0x1, v4  }
0x135: {  	v8 =	vand.u32 $0x78, v7  }
0x136: {  	v7 =	vand.u32 $0x7, v7;
	v8 =	vadd.s32 v5, v8;
	v6 =	vld.idx.msk [tilespmem:v6+s11+$0x0], $0xffff  }
0x137: {  	v7 =	vor.u32 v7, v8;
	_ =	sdelay $0x2  }
0x138: {  	s24 =	simm.s32 $0x17600;
	v60 =	vadd.s32 $0x2, v4  }
0x139: {  	v9 =	vand.u32 $0x78, v60;
	[tilespmem:s24+$0xFFFFF800] =	vst v6  }
0x13a: {  	v8 =	vand.u32 $0x7, v60;
	v6 =	vadd.s32 v5, v9;
	v7 =	vld.idx.msk [tilespmem:v7+s11+$0x0], $0xffff  }
0x13b: {  	v6 =	vor.u32 v8, v6;
	_ =	sdelay $0x2  }
0x13c: {  	v61 =	vadd.s32 $0x3, v4  }
0x13d: {  	v62 =	vand.u32 $0x78, v61;
	[tilespmem:s24+$0xFFFFFA00] =	vst v7  }
0x13e: {  	v8 =	vand.u32 $0x7, v61;
	v7 =	vadd.s32 v5, v62;
	v6 =	vld.idx.msk [tilespmem:v6+s11+$0x0], $0xffff  }
0x13f: {  	v7 =	vor.u32 v8, v7;
	_ =	sdelay $0x2  }
0x140: {  	v4 =	vadd.s32 $0x4, v4  }
0x141: {  	v63 =	vand.u32 $0x78, v4;
	[tilespmem:s24+$0xFFFFFC00] =	vst v6  }
0x142: {  	v4 =	vand.u32 $0x7, v4;
	v5 =	vadd.s32 v5, v63;
	v6 =	vld.idx.msk [tilespmem:v7+s11+$0x0], $0xffff  }
0x143: {  	v4 =	vor.u32 v4, v5;
	_ =	sdelay $0x3  }
0x144: {  	[tilespmem:s24+$0xFFFFFE00] =	vst v6  }
0x145: {  	s25 =	simm.s32 $0x10;
	v4 =	vld.idx.msk [tilespmem:v4+s11+$0x0], $0xffff  }
.LBB2_17:
0x146: {  	_ =	sdelay $0x3  }
0x147: {  	p0 =	sne.s32 s25, $0x1F0;
	s22 =	sadd.s32 $0x10, s22;
	[tilespmem:s24+$0x0] =	vst v4;
	s24 =	sadd.s32 $0x10, s24  }
0x148: {  	s26 =	smov.u32 s25;
	s25 =	sadd.s32 $0x10, s25;
	v4 =	vld [tilespmem:s22+$0x0];
	_ =	sdelay $0x2  }
0x149: {  	v5 =	vmov s26  }
0x14a: {  	v5 =	vmul.u32 $0x28, v5  }
0x14b: {  	v4 =	vand.u32 $0x7, v4  }
0x14c: {  	v5 =	vbroadcast v5, $0x0;
	v4 =	vmul.u32 $0x5, v4;
	_ =	sdelay $0x1  }
0x14d: {  	v5 =	vadd.s32 v3, v5;
	v6 =	vand.u32 $0x38, v4;
	v7 =	vadd.s32 $0x1, v4  }
0x14e: {  	v8 =	vand.u32 $0x7, v4;
	v6 =	vadd.s32 v5, v6;
	v9 =	vand.u32 $0x78, v7  }
0x14f: {  	v6 =	vor.u32 v8, v6;
	v8 =	vadd.s32 v5, v9;
	v9 =	vadd.s32 $0x2, v4  }
0x150: {  	v11 =	vadd.s32 $0x3, v4;
	v4 =	vadd.s32 $0x4, v4;
	v10 =	vand.u32 $0x78, v9  }
0x151: {  	v12 =	vand.u32 $0x78, v11;
	v13 =	vand.u32 $0x78, v4;
	v10 =	vadd.s32 v5, v10  }
0x152: {  	v12 =	vadd.s32 v5, v12;
	v5 =	vadd.s32 v5, v13;
	_ =	sdelay $0x1  }
0x153: {  	v6 =	vld.idx.msk [tilespmem:v6+s11+$0x0], $0xffff  }
0x154: {  	v7 =	vand.u32 $0x7, v7  }
0x155: {  	v7 =	vor.u32 v7, v8;
	_ =	sdelay $0x3  }
0x156: {  	[tilespmem:s24+$0xFFFFF800] =	vst v6  }
0x157: {  	v6 =	vld.idx.msk [tilespmem:v7+s11+$0x0], $0xffff  }
0x158: {  	v7 =	vand.u32 $0x7, v9  }
0x159: {  	v7 =	vor.u32 v7, v10;
	_ =	sdelay $0x3  }
0x15a: {  	[tilespmem:s24+$0xFFFFFA00] =	vst v6  }
0x15b: {  	v6 =	vld.idx.msk [tilespmem:v7+s11+$0x0], $0xffff  }
0x15c: {  	v7 =	vand.u32 $0x7, v11  }
0x15d: {  	v7 =	vor.u32 v7, v12;
	_ =	sdelay $0x3  }
0x15e: {  	[tilespmem:s24+$0xFFFFFC00] =	vst v6  }
0x15f: {  	v6 =	vld.idx.msk [tilespmem:v7+s11+$0x0], $0xffff  }
0x160: {  	v4 =	vand.u32 $0x7, v4  }
0x161: {  	v4 =	vor.u32 v4, v5  }
.Ltmp7:
0x162: {  	(pc) =	sbr.rel @p0 .LBB2_17-.Ltmp7, $3  }
0x163: {  	_ =	sdelay $0x1  }
0x164: {  	[tilespmem:s24+$0xFFFFFE00] =	vst v6  }
0x165: {  	v4 =	vld.idx.msk [tilespmem:v4+s11+$0x0], $0xffff  }
0x166: {  	_ =	sdelay $0x3  }
0x167: {  	s21 =	sadd.s32 s1, s21;
	[tilespmem:s24+$0x0] =	vst v4  }
0x168: {  	[hbm4b:s21+s2] =	stream.linear.scatter [tilespmem:s13], [sflag:$0x2], $0x200, $0x38;
	[tilespmem:$0x17800] =	vst v63  }
0x169: {  	s25 =	sadd.s32 $0x640C0, s23  }
0x16a: {  	[hbm4b:s25+s2] =	stream.linear.scatter [tilespmem:s14], [sflag:$0x2], $0x200, $0x38;
	[tilespmem:$0x17800] =	vst v63  }
0x16b: {  	s26 =	sadd.s32 $0xC80C0, s23  }
0x16c: {  	[hbm4b:s26+s2] =	stream.linear.scatter [tilespmem:s15], [sflag:$0x2], $0x200, $0x38;
	[tilespmem:$0x17800] =	vst v63  }
0x16d: {  	s28 =	sadd.s32 $0x12C0C0, s23  }
0x16e: {  	[hbm4b:s28+s2] =	stream.linear.scatter [tilespmem:s16], [sflag:$0x2], $0x200, $0x38;
	[tilespmem:$0x17800] =	vst v63  }
0x16f: {  	s29 =	sadd.s32 $0x1900C0, s23  }
0x170: {  	[hbm4b:s29+s2] =	stream.linear.scatter [tilespmem:s17], [sflag:$0x2], $0x200, $0x38;
	[tilespmem:$0x17800] =	vst v63  }
0x171: {  	_ =	swait.ge [sflag:s18], $0x200  }
0x172: {  	[sflag:s18] =	ssyncset.done $0x0  }
0x173: {  	[sflag:s18] =	ssyncadd.s32 $0xFFFFFE00  }
0x174: {  	_ =	swait.ge [sflag:s18], $0x200  }
0x175: {  	[sflag:s18] =	ssyncset.done $0x0  }
0x176: {  	[sflag:s18] =	ssyncadd.s32 $0xFFFFFE00  }
0x177: {  	_ =	swait.ge [sflag:s18], $0x200  }
0x178: {  	[sflag:s18] =	ssyncset.done $0x0  }
0x179: {  	[sflag:s18] =	ssyncadd.s32 $0xFFFFFE00  }
0x17a: {  	_ =	swait.ge [sflag:s18], $0x200  }
0x17b: {  	[sflag:s18] =	ssyncset.done $0x0  }
0x17c: {  	[sflag:s18] =	ssyncadd.s32 $0xFFFFFE00  }
0x17d: {  	_ =	swait.ge [sflag:s18], $0x200  }
0x17e: {  	[sflag:s18] =	ssyncset.done $0x0  }
0x17f: {  	[sflag:s18] =	ssyncadd.s32 $0xFFFFFE00  }
0x180: {  	_ =	swait.ge [sflag:s18], $0x200  }
0x181: {  	[sflag:s18] =	ssyncset.done $0x0  }
0x182: {  	[sflag:s18] =	ssyncadd.s32 $0xFFFFFE00  }
0x183: {  	_ =	swait.ge [sflag:s18], $0x200  }
0x184: {  	[sflag:s18] =	ssyncset.done $0x0  }
0x185: {  	[sflag:s18] =	ssyncadd.s32 $0xFFFFFE00  }
0x186: {  	_ =	swait.ge [sflag:s18], $0x200  }
0x187: {  	[sflag:s18] =	ssyncset.done $0x0  }
0x188: {  	[sflag:s18] =	ssyncadd.s32 $0xFFFFFE00  }
0x189: {  	_ =	swait.ge [sflag:s18], $0x200  }
0x18a: {  	[sflag:s18] =	ssyncset.done $0x0  }
0x18b: {  	[sflag:s18] =	ssyncadd.s32 $0xFFFFFE00  }
0x18c: {  	_ =	swait.ge [sflag:s18], $0x200  }
0x18d: {  	[sflag:s18] =	ssyncset.done $0x0  }
0x18e: {  	[sflag:s18] =	ssyncadd.s32 $0xFFFFFE00  }
0x18f: {  	_ =	swait.ge [sflag:s18], $0x200  }
0x190: {  	[sflag:s18] =	ssyncset.done $0x0  }
0x191: {  	[sflag:s18] =	ssyncadd.s32 $0xFFFFFE00  }
0x192: {  	_ =	swait.ge [sflag:s18], $0x200  }
0x193: {  	[sflag:s18] =	ssyncset.done $0x0  }
0x194: {  	[sflag:s18] =	ssyncadd.s32 $0xFFFFFE00  }
0x195: {  	_ =	swait.ge [sflag:s18], $0x200  }
0x196: {  	[sflag:s18] =	ssyncset.done $0x0  }
0x197: {  	[sflag:s18] =	ssyncadd.s32 $0xFFFFFE00  }
0x198: {  	_ =	swait.ge [sflag:s18], $0x200  }
0x199: {  	[sflag:s18] =	ssyncset.done $0x0  }
0x19a: {  	[sflag:s18] =	ssyncadd.s32 $0xFFFFFE00  }
0x19b: {  	_ =	swait.ge [sflag:s18], $0x200  }
0x19c: {  	[sflag:s18] =	ssyncset.done $0x0  }
0x19d: {  	[sflag:s18] =	ssyncadd.s32 $0xFFFFFE00  }
0x19e: {  	_ =	swait.ge [sflag:s18], $0x200  }
0x19f: {  	[sflag:s18] =	ssyncset.done $0x0  }
0x1a0: {  	[sflag:s18] =	ssyncadd.s32 $0xFFFFFE00  }
0x1a1: {  	_ =	swait.ge [sflag:s18], $0x200  }
0x1a2: {  	[sflag:s18] =	ssyncset.done $0x0  }
0x1a3: {  	[sflag:s18] =	ssyncadd.s32 $0xFFFFFE00  }
0x1a4: {  	_ =	swait.ge [sflag:s18], $0x200  }
0x1a5: {  	[sflag:s18] =	ssyncset.done $0x0  }
0x1a6: {  	s19 =	sadd.s32 $0x1, s19;
	[sflag:s18] =	ssyncadd.s32 $0xFFFFFE00  }
0x1a7: {  	p0 =	sne.s32 s19, $0x32;
	_ =	swait.ge [sflag:s18], $0x200  }
.Ltmp8:
0x1a8: {  	[sflag:s18] =	ssyncset.done $0x0;
	(pc) =	sbr.rel @p0 .LBB2_2-.Ltmp8, $4  }
0x1a9: {  	[sflag:s18] =	ssyncadd.s32 $0xFFFFFE00  }
0x1aa: {  	_ =	swait.ge [sflag:s18], $0x200  }
0x1ab: {  	[sflag:s18] =	ssyncset.done $0x0  }
0x1ac: {  	[sflag:s18] =	ssyncadd.s32 $0xFFFFFE00  }
0x1ad: {  	s21 =	rddreg [dreg:$0x4]  }
0x1ae: {  	s19 =	rddreg [dreg:$0x3];
	s21 =	sadd.s32 $0x1, s21  }
0x1af: {  	p0 =	sne.s32 s21, s19  }
.Ltmp9:
0x1b0: {  	_ = 	snop;
	(pc) =	sbr.rel @p0 .LBB2_1-.Ltmp9, $1  }
0x1b1: {  	_ =	sdelay $0x3  }
0x1b2: {  	_ =	sfence.sel $0x180000  }
0x1b3: {  	[bflag:$0x0] =	sbarrier.arrive $0xFFFF  }
0x1b4: {  	_ =	strace $0x90000047  }
0x1b5: {  	s0 =	stileid.u32;
	[bflag:$0x2] =	sbarrier.arrive $0xFFFF  }
0x1b6: {  	p0 =	sne.s32 s0, $0x0;
	s0 =	rddreg [dreg:$0x2]  }
0x1b7: {  	s0 =	sadd.s32 @!p0 $0x100000, s0  }
0x1b8: {  	[sflag:s0] =	ssyncadd.tile.s32 @!p0 $0x1;
	_ =	shalt  }
.Lfunc_end2:
_tile_overlayer_lowered:
.L_overlay_start_2:
0x1b9: {  	(tag) =	ssettag $0x2  }
0x1ba: {  	s0 =	rddreg [dreg:$0x0];
	s2 =	stileid.u32  }
0x1bb: {  	s1 =	rddreg [dreg:$0x1];
	p0 =	sne.s32 s2, $0x0  }
0x1bc: {  	s3 =	rddreg [dreg:$0x2];
	[bflag:$0x3] =	sbarrier.arrive $0xFFFF;
	s2 =	simm.s32 @!p0 $0x1C03  }
0x1bd: {  	[timem:s3], [sflag:s2] =	dma.local @!p0 [hbm:s0], s1  }
0x1be: {  	s0 =	simm.s32 @!p0 $0x3  }
0x1bf: {  	_ =	swait.ge @!p0 [sflag:s0], s1  }
0x1c0: {  	s1 =	ssub.s32 @!p0 $0x0, s1;
	[sflag:s0] =	ssyncset.done @!p0 $0x0  }
0x1c1: {  	[sflag:s0] =	ssyncadd.s32 @!p0 s1  }
0x1c2: {  	[bflag:$0x3] =	sbarrier.arrive $0xFFFF  }
0x1c3: {  	_ =	shalt  }

</sc_bundles>
